<compile_context>
chip_gen: v7x
topology: tpu7x:2x2x1
jax: 0.10.2.dev20260603
libtpu: 0.0.44.dev20260713+nightly
codegen_flags: <defaults>
</compile_context>

<pallas_src>
import functools

import jax
import jax.numpy as jnp
from jax import lax
from jax.experimental import pallas as pl
from jax.experimental.pallas import tpu as pltpu
from jax.experimental.pallas import tpu_sc as plsc

NC = 2
NS = 16
NW = NC * NS
EB = 128
NBUF = 2


@functools.lru_cache(maxsize=None)
def _make_sc_scatter(N_pad, D, NB):
    RPT = N_pad // NS
    HALF = NB // 2
    mesh = plsc.VectorSubcoreMesh(
        core_axis_name="c", subcore_axis_name="s", num_cores=NC, num_subcores=NS
    )

    @functools.partial(
        pl.kernel,
        mesh=mesh,
        out_type=jax.ShapeDtypeStruct((NC, N_pad, D), jnp.float32),
        scratch_types=[
            pltpu.VMEM((HALF, EB), jnp.int32),
            pltpu.VMEM((HALF, EB), jnp.int32),
            [pltpu.VMEM((EB, D), jnp.float32) for _ in range(NBUF)],
            pltpu.VMEM_SHARED((N_pad, D), jnp.float32),
            [pltpu.SemaphoreType.DMA for _ in range(NBUF)],
            [pltpu.SemaphoreType.DMA for _ in range(NBUF)],
        ],
    )
    def sc_kernel(x_hbm, src_hbm, dst_hbm, zeros_hbm, out_hbm,
                  src_v, dst_v, gbufs, agg_sh, gsems, ssems):
        c = lax.axis_index("c")
        s = lax.axis_index("s")
        w = c * NS + s

        def stage(h):
            pltpu.sync_copy(src_hbm.at[w, pl.ds(h * HALF, HALF)], src_v)
            pltpu.sync_copy(dst_hbm.at[w, pl.ds(h * HALF, HALF)], dst_v)

        def fire_g(j, b):
            pltpu.async_copy(x_hbm.at[src_v.at[j]], gbufs[b], gsems[b])

        def wait_g(j, b):
            pltpu.make_async_copy(x_hbm.at[src_v.at[j]], gbufs[b], gsems[b]).wait()

        def fire_s(j, b):
            pltpu.async_copy(gbufs[b], agg_sh.at[dst_v.at[j]], ssems[b], add=True)

        def wait_s(j, b):
            pltpu.make_async_copy(gbufs[b], agg_sh.at[dst_v.at[j]], ssems[b]).wait()

        def run_half(primed):
            if not primed:
                for b in range(NBUF):
                    fire_g(b, b)

            def group(g, carry):
                for b in range(NBUF):
                    j = g * NBUF + b
                    wait_g(j, b)
                    pltpu.sync_copy(gbufs[b], agg_sh.at[dst_v.at[j]], add=True)
                    fire_g(j + NBUF, b)
                return carry

            lax.fori_loop(0, HALF // NBUF - 1, group, 0)
            for b in range(NBUF):
                j = HALF - NBUF + b
                wait_g(j, b)
                pltpu.sync_copy(gbufs[b], agg_sh.at[dst_v.at[j]], add=True)

        zdma = pltpu.async_copy(zeros_hbm, agg_sh.at[pl.ds(s * RPT, RPT)],
                                ssems[0])
        stage(0)
        for b in range(NBUF):
            fire_g(b, b)
        zdma.wait()
        plsc.subcore_barrier()
        run_half(primed=True)
        stage(1)
        run_half(primed=False)
        plsc.subcore_barrier()
        pltpu.sync_copy(agg_sh.at[pl.ds(s * RPT, RPT)],
                        out_hbm.at[c, pl.ds(s * RPT, RPT)])

    return sc_kernel


def _mlp_body(x_ref, agg_ref, eps_ref, w1_ref, b1_ref, w2_ref, b2_ref, out_ref):
    scale = 1.0 + eps_ref[0, 0]
    h = scale * x_ref[...] + agg_ref[0] + agg_ref[1]
    h = jnp.dot(h, w1_ref[...], preferred_element_type=jnp.float32) + b1_ref[...]
    h = jnp.maximum(h, 0.0)
    out_ref[...] = (
        jnp.dot(h, w2_ref[...], preferred_element_type=jnp.float32) + b2_ref[...]
    )


def kernel(x, edge_index, eps, W1, b1, W2, b2):
    N, D = x.shape
    E = edge_index.shape[1]

    ept = -(-E // NW)
    ept_pad = -(-ept // (EB * 16)) * (EB * 16)
    NB = ept_pad // EB
    E_pad = ept_pad * NW
    N_pad = -(-(N + 1) // (NS * 8)) * (NS * 8)

    src = edge_index[0]
    dst = edge_index[1]
    if E_pad != E:
        pad_ar = jnp.arange(E_pad - E, dtype=jnp.int32)
        pad_dst = N + pad_ar % (N_pad - N)
        pad_src = (pad_ar * 37) % N
        src = jnp.concatenate([src, pad_src])
        dst = jnp.concatenate([dst, pad_dst])
    src_p = src.reshape(NW, NB, EB)
    dst_p = dst.reshape(NW, NB, EB)
    zeros = jnp.zeros((N_pad // NS, D), jnp.float32)

    agg2 = _make_sc_scatter(N_pad, D, NB)(x, src_p, dst_p, zeros)

    BR = next(b for b in (2000, 1000, 800, 500, 400, 250, 200, 125, 100, 50, 40,
                          25, 20, 10, 8, 5, 4, 2, 1) if N % b == 0)
    grid = (N // BR,)
    out = pl.pallas_call(
        _mlp_body,
        grid=grid,
        in_specs=[
            pl.BlockSpec((BR, D), lambda i: (i, 0)),
            pl.BlockSpec((NC, BR, D), lambda i: (0, i, 0)),
            pl.BlockSpec(memory_space=pltpu.SMEM),
            pl.BlockSpec((D, D), lambda i: (0, 0)),
            pl.BlockSpec((1, D), lambda i: (0, 0)),
            pl.BlockSpec((D, D), lambda i: (0, 0)),
            pl.BlockSpec((1, D), lambda i: (0, 0)),
        ],
        out_specs=pl.BlockSpec((BR, D), lambda i: (i, 0)),
        out_shape=jax.ShapeDtypeStruct((N, D), jnp.float32),
    )(x, agg2, eps.astype(jnp.float32).reshape(1, 1),
      W1, b1.reshape(1, D), W2, b2.reshape(1, D))
    return out

# --- scband reference (transcript-rebuilt; emitter-appended) ---
"""Pipeline reference for scband-eps-ginconv-5059471475173 (READ-ONLY COPY).

The authoritative reference and input builder live on the scoring server;
editing this copy changes nothing except your own understanding.
"""

import jax, jax.numpy as jnp
import numpy as np

N = 10000
E = 320000
D = 128


def setup_inputs(seed: int = 0) -> dict:
    key = jax.random.key(seed)
    k1, k2, k3, k4, k5, k6 = jax.random.split(key, 6)
    x = jax.random.normal(k1, (N, D), dtype=jnp.float32)
    edge_index = jax.random.randint(k2, (2, E), 0, N, dtype=jnp.int32)
    # MLP params: size_list = [D, D, D] (cal_size_list(in, out, 2) with in==out)
    W1 = jax.random.normal(k3, (D, D), dtype=jnp.float32) * (1.0 / np.sqrt(D))
    b1 = jax.random.normal(k4, (D,), dtype=jnp.float32) * 0.01
    W2 = jax.random.normal(k5, (D, D), dtype=jnp.float32) * (1.0 / np.sqrt(D))
    b2 = jax.random.normal(k6, (D,), dtype=jnp.float32) * 0.01
    # train_eps=True -> learnable eps, initialized to 0
    eps = jnp.zeros((), dtype=jnp.float32)
    return {"x": x, "edge_index": edge_index, "eps": eps, "W1": W1, "b1": b1, "W2": W2, "b2": b2}


def reference(x, edge_index, eps, W1, b1, W2, b2):
    # GINConv: out = MLP((1 + eps) * x + sum_{j in N(i)} x_j)
    src = edge_index[0]
    dst = edge_index[1]
    msgs = jnp.take(x, src, axis=0)              # gather source-node features per edge
    agg = jax.ops.segment_sum(msgs, dst, num_segments=N)  # scatter-add to destination nodes
    h = (1.0 + eps) * x + agg
    # 2-layer MLP: Linear -> ReLU -> Linear
    h = jax.nn.relu(h @ W1 + b1)
    out = h @ W2 + b2
    return out

if __name__ == "__main__":
    import jax
    _d = setup_inputs()
    print(jax.jit(kernel)(*tuple(_d.values())))

</pallas_src>

<mosaic_0001>
#map = affine_map<(d0, d1) -> (0, 0)>
#map1 = affine_map<(d0, d1) -> (0, 0, 0)>
module attributes {stable_mosaic.version = 14 : i64} {
  func.func @sc_kernel(%arg0: i32, %arg1: i32, %arg2: memref<10000x128xf32, #tpu.memory_space<hbm>>, %arg3: memref<32x80x128xi32, #tpu.memory_space<hbm>>, %arg4: memref<32x80x128xi32, #tpu.memory_space<hbm>>, %arg5: memref<632x128xf32, #tpu.memory_space<hbm>>, %arg6: memref<2x10112x128xf32, #tpu.memory_space<hbm>>, %arg7: memref<40x128xi32, #tpu.memory_space<vmem>>, %arg8: memref<40x128xi32, #tpu.memory_space<vmem>>, %arg9: memref<128x128xf32, #tpu.memory_space<vmem>>, %arg10: memref<128x128xf32, #tpu.memory_space<vmem>>, %arg11: memref<10112x128xf32, #tpu.memory_space<vmem_shared>>, %arg12: memref<!tpu.dma_semaphore, #tpu.memory_space<semaphore_mem>>, %arg13: memref<!tpu.dma_semaphore, #tpu.memory_space<semaphore_mem>>, %arg14: memref<!tpu.dma_semaphore, #tpu.memory_space<semaphore_mem>>, %arg15: memref<!tpu.dma_semaphore, #tpu.memory_space<semaphore_mem>>) attributes {dimension_semantics = [#tpu.dimension_semantics<core_parallel>, #tpu.dimension_semantics<subcore_parallel>], iteration_bounds = array<i64: 2, 16>, scalar_prefetch = 0 : i64, scratch_operands = 9 : i64, tpu.core_type = #tpu.core_type<sc_vector_subcore>, window_params = [{transform_indices = #map}, {transform_indices = #map1}, {transform_indices = #map1}, {transform_indices = #map}, {transform_indices = #map1}]} {
    %mul3A = arith.constant 16 : i32
    %mul3A_0 = arith.muli %arg0, %mul3A : i32
    %add3A = arith.addi %mul3A_0, %arg1 : i32
    %mul3A_1 = arith.constant 632 : i32
    %mul3A_2 = arith.muli %arg1, %mul3A_1 : i32
    %dma_start3A = arith.constant 0 : i32
    %dma_start3A_3 = tpu.memref_slice %arg11[%mul3A_2, %dma_start3A] : memref<10112x128xf32, #tpu.memory_space<vmem_shared>> -> memref<632x128xf32, #tpu.memory_space<vmem_shared>>
    tpu.enqueue_dma source(%arg5 : memref<632x128xf32, #tpu.memory_space<hbm>>) target(%dma_start3A_3 : memref<632x128xf32, #tpu.memory_space<vmem_shared>>) target_semaphore(%arg14 : memref<!tpu.dma_semaphore, #tpu.memory_space<semaphore_mem>>)
    "tpu.region"() ({
      %run_scoped3A_80 = tpu.sem_alloc : memref<!tpu.dma_semaphore, #tpu.memory_space<semaphore_mem>>
      %dma_start3A_81 = arith.constant 0 : i32
      %dma_start3A_82 = arith.constant 0 : i32
      %dma_start3A_83 = tpu.memref_slice %arg3[%add3A, %dma_start3A_81, %dma_start3A_82] : memref<32x80x128xi32, #tpu.memory_space<hbm>> -> memref<1x40x128xi32, #tpu.memory_space<hbm>>
      %dma_start3A_84 = tpu.memref_squeeze %dma_start3A_83 : memref<1x40x128xi32, #tpu.memory_space<hbm>> -> memref<40x128xi32, #tpu.memory_space<hbm>>
      %dma_start3A_85 = arith.constant 0 : i32
      %dma_start3A_86 = arith.constant 0 : i32
      %dma_start3A_87 = tpu.memref_slice %arg3[%add3A, %dma_start3A_85, %dma_start3A_86] : memref<32x80x128xi32, #tpu.memory_space<hbm>> -> memref<1x40x128xi32, #tpu.memory_space<hbm>>
      %dma_start3A_88 = tpu.memref_squeeze %dma_start3A_87 : memref<1x40x128xi32, #tpu.memory_space<hbm>> -> memref<40x128xi32, #tpu.memory_space<hbm>>
      tpu.enqueue_dma source(%dma_start3A_88 : memref<40x128xi32, #tpu.memory_space<hbm>>) target(%arg7 : memref<40x128xi32, #tpu.memory_space<vmem>>) target_semaphore(%run_scoped3A_80 : memref<!tpu.dma_semaphore, #tpu.memory_space<semaphore_mem>>)
      %dma_wait3A_89 = arith.constant 0 : i32
      %dma_wait3A_90 = arith.constant 0 : i32
      %dma_wait3A_91 = tpu.memref_slice %arg3[%add3A, %dma_wait3A_89, %dma_wait3A_90] : memref<32x80x128xi32, #tpu.memory_space<hbm>> -> memref<1x40x128xi32, #tpu.memory_space<hbm>>
      %dma_wait3A_92 = tpu.memref_squeeze %dma_wait3A_91 : memref<1x40x128xi32, #tpu.memory_space<hbm>> -> memref<40x128xi32, #tpu.memory_space<hbm>>
      %dma_wait3A_93 = arith.constant 0 : i32
      %dma_wait3A_94 = arith.constant 0 : i32
      %dma_wait3A_95 = tpu.memref_slice %arg3[%add3A, %dma_wait3A_93, %dma_wait3A_94] : memref<32x80x128xi32, #tpu.memory_space<hbm>> -> memref<1x40x128xi32, #tpu.memory_space<hbm>>
      %dma_wait3A_96 = tpu.memref_squeeze %dma_wait3A_95 : memref<1x40x128xi32, #tpu.memory_space<hbm>> -> memref<40x128xi32, #tpu.memory_space<hbm>>
      tpu.wait_dma2 semaphore(%run_scoped3A_80 : memref<!tpu.dma_semaphore, #tpu.memory_space<semaphore_mem>>) src(%dma_wait3A_96 : memref<40x128xi32, #tpu.memory_space<hbm>>) dst(%arg7 : memref<40x128xi32, #tpu.memory_space<vmem>>)
      tpu.yield
    }) : () -> ()
    "tpu.region"() ({
      %run_scoped3A_80 = tpu.sem_alloc : memref<!tpu.dma_semaphore, #tpu.memory_space<semaphore_mem>>
      %dma_start3A_81 = arith.constant 0 : i32
      %dma_start3A_82 = arith.constant 0 : i32
      %dma_start3A_83 = tpu.memref_slice %arg4[%add3A, %dma_start3A_81, %dma_start3A_82] : memref<32x80x128xi32, #tpu.memory_space<hbm>> -> memref<1x40x128xi32, #tpu.memory_space<hbm>>
      %dma_start3A_84 = tpu.memref_squeeze %dma_start3A_83 : memref<1x40x128xi32, #tpu.memory_space<hbm>> -> memref<40x128xi32, #tpu.memory_space<hbm>>
      %dma_start3A_85 = arith.constant 0 : i32
      %dma_start3A_86 = arith.constant 0 : i32
      %dma_start3A_87 = tpu.memref_slice %arg4[%add3A, %dma_start3A_85, %dma_start3A_86] : memref<32x80x128xi32, #tpu.memory_space<hbm>> -> memref<1x40x128xi32, #tpu.memory_space<hbm>>
      %dma_start3A_88 = tpu.memref_squeeze %dma_start3A_87 : memref<1x40x128xi32, #tpu.memory_space<hbm>> -> memref<40x128xi32, #tpu.memory_space<hbm>>
      tpu.enqueue_dma source(%dma_start3A_88 : memref<40x128xi32, #tpu.memory_space<hbm>>) target(%arg8 : memref<40x128xi32, #tpu.memory_space<vmem>>) target_semaphore(%run_scoped3A_80 : memref<!tpu.dma_semaphore, #tpu.memory_space<semaphore_mem>>)
      %dma_wait3A_89 = arith.constant 0 : i32
      %dma_wait3A_90 = arith.constant 0 : i32
      %dma_wait3A_91 = tpu.memref_slice %arg4[%add3A, %dma_wait3A_89, %dma_wait3A_90] : memref<32x80x128xi32, #tpu.memory_space<hbm>> -> memref<1x40x128xi32, #tpu.memory_space<hbm>>
      %dma_wait3A_92 = tpu.memref_squeeze %dma_wait3A_91 : memref<1x40x128xi32, #tpu.memory_space<hbm>> -> memref<40x128xi32, #tpu.memory_space<hbm>>
      %dma_wait3A_93 = arith.constant 0 : i32
      %dma_wait3A_94 = arith.constant 0 : i32
      %dma_wait3A_95 = tpu.memref_slice %arg4[%add3A, %dma_wait3A_93, %dma_wait3A_94] : memref<32x80x128xi32, #tpu.memory_space<hbm>> -> memref<1x40x128xi32, #tpu.memory_space<hbm>>
      %dma_wait3A_96 = tpu.memref_squeeze %dma_wait3A_95 : memref<1x40x128xi32, #tpu.memory_space<hbm>> -> memref<40x128xi32, #tpu.memory_space<hbm>>
      tpu.wait_dma2 semaphore(%run_scoped3A_80 : memref<!tpu.dma_semaphore, #tpu.memory_space<semaphore_mem>>) src(%dma_wait3A_96 : memref<40x128xi32, #tpu.memory_space<hbm>>) dst(%arg8 : memref<40x128xi32, #tpu.memory_space<vmem>>)
      tpu.yield
    }) : () -> ()
    %dma_start3A_4 = arith.constant 0 : i32
    %dma_start3A_5 = arith.constant 0 : i32
    %dma_start3A_6 = tpu.memref_slice %arg7[%dma_start3A_4, %dma_start3A_5] : memref<40x128xi32, #tpu.memory_space<vmem>> -> memref<1x128xi32, #tpu.memory_space<vmem>>
    %dma_start3A_7 = tpu.memref_squeeze %dma_start3A_6 : memref<1x128xi32, #tpu.memory_space<vmem>> -> memref<128xi32, #tpu.memory_space<vmem>>
    %dma_start3A_8 = arith.constant 0 : i32
    %dma_start3A_9 = arith.constant 0 : i32
    %dma_start3A_10 = tpu.memref_slice %arg2[%dma_start3A_8, %dma_start3A_9] : memref<10000x128xf32, #tpu.memory_space<hbm>> -> memref<10000x128xf32, #tpu.memory_space<hbm>>
    tpu.enqueue_indirect_dma source(%dma_start3A_10 : memref<10000x128xf32, #tpu.memory_space<hbm>>) target(%arg9 : memref<128x128xf32, #tpu.memory_space<vmem>>) offsets(%dma_start3A_7 : memref<128xi32, #tpu.memory_space<vmem>>) semaphore(%arg12 : memref<!tpu.dma_semaphore, #tpu.memory_space<semaphore_mem>>)
    %dma_start3A_11 = arith.constant 1 : i32
    %dma_start3A_12 = arith.constant 0 : i32
    %dma_start3A_13 = tpu.memref_slice %arg7[%dma_start3A_11, %dma_start3A_12] : memref<40x128xi32, #tpu.memory_space<vmem>> -> memref<1x128xi32, #tpu.memory_space<vmem>>
    %dma_start3A_14 = tpu.memref_squeeze %dma_start3A_13 : memref<1x128xi32, #tpu.memory_space<vmem>> -> memref<128xi32, #tpu.memory_space<vmem>>
    %dma_start3A_15 = arith.constant 0 : i32
    %dma_start3A_16 = arith.constant 0 : i32
    %dma_start3A_17 = tpu.memref_slice %arg2[%dma_start3A_15, %dma_start3A_16] : memref<10000x128xf32, #tpu.memory_space<hbm>> -> memref<10000x128xf32, #tpu.memory_space<hbm>>
    tpu.enqueue_indirect_dma source(%dma_start3A_17 : memref<10000x128xf32, #tpu.memory_space<hbm>>) target(%arg10 : memref<128x128xf32, #tpu.memory_space<vmem>>) offsets(%dma_start3A_14 : memref<128xi32, #tpu.memory_space<vmem>>) semaphore(%arg13 : memref<!tpu.dma_semaphore, #tpu.memory_space<semaphore_mem>>)
    %dma_wait3A = arith.constant 0 : i32
    %dma_wait3A_18 = tpu.memref_slice %arg11[%mul3A_2, %dma_wait3A] : memref<10112x128xf32, #tpu.memory_space<vmem_shared>> -> memref<632x128xf32, #tpu.memory_space<vmem_shared>>
    tpu.wait_dma2 semaphore(%arg14 : memref<!tpu.dma_semaphore, #tpu.memory_space<semaphore_mem>>) src(%arg5 : memref<632x128xf32, #tpu.memory_space<hbm>>) dst(%dma_wait3A_18 : memref<632x128xf32, #tpu.memory_space<vmem_shared>>)
    %barrier3A = arith.constant 0 : index
    tpu.barrier barrier_id(%barrier3A)
    %scan3A = arith.constant 0 : i32
    %scan3A_19 = arith.constant 0 : i32
    %scan3A_20 = arith.constant 19 : i32
    %scan3A_21 = arith.addi %scan3A_19, %scan3A_20 : i32
    %scan3A_22 = arith.constant 1 : i32
    scf.for %scan3A_80 = %scan3A_19 to %scan3A_21 step %scan3A_22  : i32 {
      %mul3A_81 = arith.constant 2 : i32
      %mul3A_82 = arith.muli %scan3A_80, %mul3A_81 : i32
      %add3A_83 = arith.constant 0 : i32
      %add3A_84 = arith.addi %mul3A_82, %add3A_83 : i32
      %dma_wait3A_85 = arith.constant 0 : i32
      %dma_wait3A_86 = tpu.memref_slice %arg7[%add3A_84, %dma_wait3A_85] : memref<40x128xi32, #tpu.memory_space<vmem>> -> memref<1x128xi32, #tpu.memory_space<vmem>>
      %dma_wait3A_87 = tpu.memref_squeeze %dma_wait3A_86 : memref<1x128xi32, #tpu.memory_space<vmem>> -> memref<128xi32, #tpu.memory_space<vmem>>
      %dma_wait3A_88 = arith.constant 0 : i32
      %dma_wait3A_89 = arith.constant 0 : i32
      %dma_wait3A_90 = tpu.memref_slice %arg2[%dma_wait3A_88, %dma_wait3A_89] : memref<10000x128xf32, #tpu.memory_space<hbm>> -> memref<10000x128xf32, #tpu.memory_space<hbm>>
      tpu.wait_indirect_dma semaphore(%arg12 : memref<!tpu.dma_semaphore, #tpu.memory_space<semaphore_mem>>) src(%dma_wait3A_90 : memref<10000x128xf32, #tpu.memory_space<hbm>>) dst(%arg9 : memref<128x128xf32, #tpu.memory_space<vmem>>)
      "tpu.region"() ({
        %run_scoped3A_117 = tpu.sem_alloc : memref<!tpu.dma_semaphore, #tpu.memory_space<semaphore_mem>>
        %dma_start3A_118 = arith.constant 0 : i32
        %dma_start3A_119 = tpu.memref_slice %arg8[%add3A_84, %dma_start3A_118] : memref<40x128xi32, #tpu.memory_space<vmem>> -> memref<1x128xi32, #tpu.memory_space<vmem>>
        %dma_start3A_120 = tpu.memref_squeeze %dma_start3A_119 : memref<1x128xi32, #tpu.memory_space<vmem>> -> memref<128xi32, #tpu.memory_space<vmem>>
        %dma_start3A_121 = arith.constant 0 : i32
        %dma_start3A_122 = arith.constant 0 : i32
        %dma_start3A_123 = tpu.memref_slice %arg11[%dma_start3A_121, %dma_start3A_122] : memref<10112x128xf32, #tpu.memory_space<vmem_shared>> -> memref<10112x128xf32, #tpu.memory_space<vmem_shared>>
        tpu.enqueue_indirect_dma source(%arg9 : memref<128x128xf32, #tpu.memory_space<vmem>>) target(%dma_start3A_123 : memref<10112x128xf32, #tpu.memory_space<vmem_shared>>) offsets(%dma_start3A_120 : memref<128xi32, #tpu.memory_space<vmem>>) semaphore(%run_scoped3A_117 : memref<!tpu.dma_semaphore, #tpu.memory_space<semaphore_mem>>) {add = true}
        %dma_wait3A_124 = arith.constant 0 : i32
        %dma_wait3A_125 = tpu.memref_slice %arg8[%add3A_84, %dma_wait3A_124] : memref<40x128xi32, #tpu.memory_space<vmem>> -> memref<1x128xi32, #tpu.memory_space<vmem>>
        %dma_wait3A_126 = tpu.memref_squeeze %dma_wait3A_125 : memref<1x128xi32, #tpu.memory_space<vmem>> -> memref<128xi32, #tpu.memory_space<vmem>>
        %dma_wait3A_127 = arith.constant 0 : i32
        %dma_wait3A_128 = arith.constant 0 : i32
        %dma_wait3A_129 = tpu.memref_slice %arg11[%dma_wait3A_127, %dma_wait3A_128] : memref<10112x128xf32, #tpu.memory_space<vmem_shared>> -> memref<10112x128xf32, #tpu.memory_space<vmem_shared>>
        tpu.wait_indirect_dma semaphore(%run_scoped3A_117 : memref<!tpu.dma_semaphore, #tpu.memory_space<semaphore_mem>>) src(%arg9 : memref<128x128xf32, #tpu.memory_space<vmem>>) dst(%dma_wait3A_129 : memref<10112x128xf32, #tpu.memory_space<vmem_shared>>)
        tpu.yield
      }) : () -> ()
      %add3A_91 = arith.constant 2 : i32
      %add3A_92 = arith.addi %add3A_84, %add3A_91 : i32
      %dma_start3A_93 = arith.constant 0 : i32
      %dma_start3A_94 = tpu.memref_slice %arg7[%add3A_92, %dma_start3A_93] : memref<40x128xi32, #tpu.memory_space<vmem>> -> memref<1x128xi32, #tpu.memory_space<vmem>>
      %dma_start3A_95 = tpu.memref_squeeze %dma_start3A_94 : memref<1x128xi32, #tpu.memory_space<vmem>> -> memref<128xi32, #tpu.memory_space<vmem>>
      %dma_start3A_96 = arith.constant 0 : i32
      %dma_start3A_97 = arith.constant 0 : i32
      %dma_start3A_98 = tpu.memref_slice %arg2[%dma_start3A_96, %dma_start3A_97] : memref<10000x128xf32, #tpu.memory_space<hbm>> -> memref<10000x128xf32, #tpu.memory_space<hbm>>
      tpu.enqueue_indirect_dma source(%dma_start3A_98 : memref<10000x128xf32, #tpu.memory_space<hbm>>) target(%arg9 : memref<128x128xf32, #tpu.memory_space<vmem>>) offsets(%dma_start3A_95 : memref<128xi32, #tpu.memory_space<vmem>>) semaphore(%arg12 : memref<!tpu.dma_semaphore, #tpu.memory_space<semaphore_mem>>)
      %mul3A_99 = arith.constant 2 : i32
      %mul3A_100 = arith.muli %scan3A_80, %mul3A_99 : i32
      %add3A_101 = arith.constant 1 : i32
      %add3A_102 = arith.addi %mul3A_100, %add3A_101 : i32
      %dma_wait3A_103 = arith.constant 0 : i32
      %dma_wait3A_104 = tpu.memref_slice %arg7[%add3A_102, %dma_wait3A_103] : memref<40x128xi32, #tpu.memory_space<vmem>> -> memref<1x128xi32, #tpu.memory_space<vmem>>
      %dma_wait3A_105 = tpu.memref_squeeze %dma_wait3A_104 : memref<1x128xi32, #tpu.memory_space<vmem>> -> memref<128xi32, #tpu.memory_space<vmem>>
      %dma_wait3A_106 = arith.constant 0 : i32
      %dma_wait3A_107 = arith.constant 0 : i32
      %dma_wait3A_108 = tpu.memref_slice %arg2[%dma_wait3A_106, %dma_wait3A_107] : memref<10000x128xf32, #tpu.memory_space<hbm>> -> memref<10000x128xf32, #tpu.memory_space<hbm>>
      tpu.wait_indirect_dma semaphore(%arg13 : memref<!tpu.dma_semaphore, #tpu.memory_space<semaphore_mem>>) src(%dma_wait3A_108 : memref<10000x128xf32, #tpu.memory_space<hbm>>) dst(%arg10 : memref<128x128xf32, #tpu.memory_space<vmem>>)
      "tpu.region"() ({
        %run_scoped3A_117 = tpu.sem_alloc : memref<!tpu.dma_semaphore, #tpu.memory_space<semaphore_mem>>
        %dma_start3A_118 = arith.constant 0 : i32
        %dma_start3A_119 = tpu.memref_slice %arg8[%add3A_102, %dma_start3A_118] : memref<40x128xi32, #tpu.memory_space<vmem>> -> memref<1x128xi32, #tpu.memory_space<vmem>>
        %dma_start3A_120 = tpu.memref_squeeze %dma_start3A_119 : memref<1x128xi32, #tpu.memory_space<vmem>> -> memref<128xi32, #tpu.memory_space<vmem>>
        %dma_start3A_121 = arith.constant 0 : i32
        %dma_start3A_122 = arith.constant 0 : i32
        %dma_start3A_123 = tpu.memref_slice %arg11[%dma_start3A_121, %dma_start3A_122] : memref<10112x128xf32, #tpu.memory_space<vmem_shared>> -> memref<10112x128xf32, #tpu.memory_space<vmem_shared>>
        tpu.enqueue_indirect_dma source(%arg10 : memref<128x128xf32, #tpu.memory_space<vmem>>) target(%dma_start3A_123 : memref<10112x128xf32, #tpu.memory_space<vmem_shared>>) offsets(%dma_start3A_120 : memref<128xi32, #tpu.memory_space<vmem>>) semaphore(%run_scoped3A_117 : memref<!tpu.dma_semaphore, #tpu.memory_space<semaphore_mem>>) {add = true}
        %dma_wait3A_124 = arith.constant 0 : i32
        %dma_wait3A_125 = tpu.memref_slice %arg8[%add3A_102, %dma_wait3A_124] : memref<40x128xi32, #tpu.memory_space<vmem>> -> memref<1x128xi32, #tpu.memory_space<vmem>>
        %dma_wait3A_126 = tpu.memref_squeeze %dma_wait3A_125 : memref<1x128xi32, #tpu.memory_space<vmem>> -> memref<128xi32, #tpu.memory_space<vmem>>
        %dma_wait3A_127 = arith.constant 0 : i32
        %dma_wait3A_128 = arith.constant 0 : i32
        %dma_wait3A_129 = tpu.memref_slice %arg11[%dma_wait3A_127, %dma_wait3A_128] : memref<10112x128xf32, #tpu.memory_space<vmem_shared>> -> memref<10112x128xf32, #tpu.memory_space<vmem_shared>>
        tpu.wait_indirect_dma semaphore(%run_scoped3A_117 : memref<!tpu.dma_semaphore, #tpu.memory_space<semaphore_mem>>) src(%arg10 : memref<128x128xf32, #tpu.memory_space<vmem>>) dst(%dma_wait3A_129 : memref<10112x128xf32, #tpu.memory_space<vmem_shared>>)
        tpu.yield
      }) : () -> ()
      %add3A_109 = arith.constant 2 : i32
      %add3A_110 = arith.addi %add3A_102, %add3A_109 : i32
      %dma_start3A_111 = arith.constant 0 : i32
      %dma_start3A_112 = tpu.memref_slice %arg7[%add3A_110, %dma_start3A_111] : memref<40x128xi32, #tpu.memory_space<vmem>> -> memref<1x128xi32, #tpu.memory_space<vmem>>
      %dma_start3A_113 = tpu.memref_squeeze %dma_start3A_112 : memref<1x128xi32, #tpu.memory_space<vmem>> -> memref<128xi32, #tpu.memory_space<vmem>>
      %dma_start3A_114 = arith.constant 0 : i32
      %dma_start3A_115 = arith.constant 0 : i32
      %dma_start3A_116 = tpu.memref_slice %arg2[%dma_start3A_114, %dma_start3A_115] : memref<10000x128xf32, #tpu.memory_space<hbm>> -> memref<10000x128xf32, #tpu.memory_space<hbm>>
      tpu.enqueue_indirect_dma source(%dma_start3A_116 : memref<10000x128xf32, #tpu.memory_space<hbm>>) target(%arg10 : memref<128x128xf32, #tpu.memory_space<vmem>>) offsets(%dma_start3A_113 : memref<128xi32, #tpu.memory_space<vmem>>) semaphore(%arg13 : memref<!tpu.dma_semaphore, #tpu.memory_space<semaphore_mem>>)
    }
    %scan3A_23 = arith.constant 19 : i32
    %dma_wait3A_24 = arith.constant 38 : i32
    %dma_wait3A_25 = arith.constant 0 : i32
    %dma_wait3A_26 = tpu.memref_slice %arg7[%dma_wait3A_24, %dma_wait3A_25] : memref<40x128xi32, #tpu.memory_space<vmem>> -> memref<1x128xi32, #tpu.memory_space<vmem>>
    %dma_wait3A_27 = tpu.memref_squeeze %dma_wait3A_26 : memref<1x128xi32, #tpu.memory_space<vmem>> -> memref<128xi32, #tpu.memory_space<vmem>>
    %dma_wait3A_28 = arith.constant 0 : i32
    %dma_wait3A_29 = arith.constant 0 : i32
    %dma_wait3A_30 = tpu.memref_slice %arg2[%dma_wait3A_28, %dma_wait3A_29] : memref<10000x128xf32, #tpu.memory_space<hbm>> -> memref<10000x128xf32, #tpu.memory_space<hbm>>
    tpu.wait_indirect_dma semaphore(%arg12 : memref<!tpu.dma_semaphore, #tpu.memory_space<semaphore_mem>>) src(%dma_wait3A_30 : memref<10000x128xf32, #tpu.memory_space<hbm>>) dst(%arg9 : memref<128x128xf32, #tpu.memory_space<vmem>>)
    %run_scoped3A = arith.constant 38 : i32
    "tpu.region"() ({
      %run_scoped3A_80 = tpu.sem_alloc : memref<!tpu.dma_semaphore, #tpu.memory_space<semaphore_mem>>
      %dma_start3A_81 = arith.constant 0 : i32
      %dma_start3A_82 = tpu.memref_slice %arg8[%run_scoped3A, %dma_start3A_81] : memref<40x128xi32, #tpu.memory_space<vmem>> -> memref<1x128xi32, #tpu.memory_space<vmem>>
      %dma_start3A_83 = tpu.memref_squeeze %dma_start3A_82 : memref<1x128xi32, #tpu.memory_space<vmem>> -> memref<128xi32, #tpu.memory_space<vmem>>
      %dma_start3A_84 = arith.constant 0 : i32
      %dma_start3A_85 = arith.constant 0 : i32
      %dma_start3A_86 = tpu.memref_slice %arg11[%dma_start3A_84, %dma_start3A_85] : memref<10112x128xf32, #tpu.memory_space<vmem_shared>> -> memref<10112x128xf32, #tpu.memory_space<vmem_shared>>
      tpu.enqueue_indirect_dma source(%arg9 : memref<128x128xf32, #tpu.memory_space<vmem>>) target(%dma_start3A_86 : memref<10112x128xf32, #tpu.memory_space<vmem_shared>>) offsets(%dma_start3A_83 : memref<128xi32, #tpu.memory_space<vmem>>) semaphore(%run_scoped3A_80 : memref<!tpu.dma_semaphore, #tpu.memory_space<semaphore_mem>>) {add = true}
      %dma_wait3A_87 = arith.constant 0 : i32
      %dma_wait3A_88 = tpu.memref_slice %arg8[%run_scoped3A, %dma_wait3A_87] : memref<40x128xi32, #tpu.memory_space<vmem>> -> memref<1x128xi32, #tpu.memory_space<vmem>>
      %dma_wait3A_89 = tpu.memref_squeeze %dma_wait3A_88 : memref<1x128xi32, #tpu.memory_space<vmem>> -> memref<128xi32, #tpu.memory_space<vmem>>
      %dma_wait3A_90 = arith.constant 0 : i32
      %dma_wait3A_91 = arith.constant 0 : i32
      %dma_wait3A_92 = tpu.memref_slice %arg11[%dma_wait3A_90, %dma_wait3A_91] : memref<10112x128xf32, #tpu.memory_space<vmem_shared>> -> memref<10112x128xf32, #tpu.memory_space<vmem_shared>>
      tpu.wait_indirect_dma semaphore(%run_scoped3A_80 : memref<!tpu.dma_semaphore, #tpu.memory_space<semaphore_mem>>) src(%arg9 : memref<128x128xf32, #tpu.memory_space<vmem>>) dst(%dma_wait3A_92 : memref<10112x128xf32, #tpu.memory_space<vmem_shared>>)
      tpu.yield
    }) : () -> ()
    %dma_wait3A_31 = arith.constant 39 : i32
    %dma_wait3A_32 = arith.constant 0 : i32
    %dma_wait3A_33 = tpu.memref_slice %arg7[%dma_wait3A_31, %dma_wait3A_32] : memref<40x128xi32, #tpu.memory_space<vmem>> -> memref<1x128xi32, #tpu.memory_space<vmem>>
    %dma_wait3A_34 = tpu.memref_squeeze %dma_wait3A_33 : memref<1x128xi32, #tpu.memory_space<vmem>> -> memref<128xi32, #tpu.memory_space<vmem>>
    %dma_wait3A_35 = arith.constant 0 : i32
    %dma_wait3A_36 = arith.constant 0 : i32
    %dma_wait3A_37 = tpu.memref_slice %arg2[%dma_wait3A_35, %dma_wait3A_36] : memref<10000x128xf32, #tpu.memory_space<hbm>> -> memref<10000x128xf32, #tpu.memory_space<hbm>>
    tpu.wait_indirect_dma semaphore(%arg13 : memref<!tpu.dma_semaphore, #tpu.memory_space<semaphore_mem>>) src(%dma_wait3A_37 : memref<10000x128xf32, #tpu.memory_space<hbm>>) dst(%arg10 : memref<128x128xf32, #tpu.memory_space<vmem>>)
    %run_scoped3A_38 = arith.constant 39 : i32
    "tpu.region"() ({
      %run_scoped3A_80 = tpu.sem_alloc : memref<!tpu.dma_semaphore, #tpu.memory_space<semaphore_mem>>
      %dma_start3A_81 = arith.constant 0 : i32
      %dma_start3A_82 = tpu.memref_slice %arg8[%run_scoped3A_38, %dma_start3A_81] : memref<40x128xi32, #tpu.memory_space<vmem>> -> memref<1x128xi32, #tpu.memory_space<vmem>>
      %dma_start3A_83 = tpu.memref_squeeze %dma_start3A_82 : memref<1x128xi32, #tpu.memory_space<vmem>> -> memref<128xi32, #tpu.memory_space<vmem>>
      %dma_start3A_84 = arith.constant 0 : i32
      %dma_start3A_85 = arith.constant 0 : i32
      %dma_start3A_86 = tpu.memref_slice %arg11[%dma_start3A_84, %dma_start3A_85] : memref<10112x128xf32, #tpu.memory_space<vmem_shared>> -> memref<10112x128xf32, #tpu.memory_space<vmem_shared>>
      tpu.enqueue_indirect_dma source(%arg10 : memref<128x128xf32, #tpu.memory_space<vmem>>) target(%dma_start3A_86 : memref<10112x128xf32, #tpu.memory_space<vmem_shared>>) offsets(%dma_start3A_83 : memref<128xi32, #tpu.memory_space<vmem>>) semaphore(%run_scoped3A_80 : memref<!tpu.dma_semaphore, #tpu.memory_space<semaphore_mem>>) {add = true}
      %dma_wait3A_87 = arith.constant 0 : i32
      %dma_wait3A_88 = tpu.memref_slice %arg8[%run_scoped3A_38, %dma_wait3A_87] : memref<40x128xi32, #tpu.memory_space<vmem>> -> memref<1x128xi32, #tpu.memory_space<vmem>>
      %dma_wait3A_89 = tpu.memref_squeeze %dma_wait3A_88 : memref<1x128xi32, #tpu.memory_space<vmem>> -> memref<128xi32, #tpu.memory_space<vmem>>
      %dma_wait3A_90 = arith.constant 0 : i32
      %dma_wait3A_91 = arith.constant 0 : i32
      %dma_wait3A_92 = tpu.memref_slice %arg11[%dma_wait3A_90, %dma_wait3A_91] : memref<10112x128xf32, #tpu.memory_space<vmem_shared>> -> memref<10112x128xf32, #tpu.memory_space<vmem_shared>>
      tpu.wait_indirect_dma semaphore(%run_scoped3A_80 : memref<!tpu.dma_semaphore, #tpu.memory_space<semaphore_mem>>) src(%arg10 : memref<128x128xf32, #tpu.memory_space<vmem>>) dst(%dma_wait3A_92 : memref<10112x128xf32, #tpu.memory_space<vmem_shared>>)
      tpu.yield
    }) : () -> ()
    "tpu.region"() ({
      %run_scoped3A_80 = tpu.sem_alloc : memref<!tpu.dma_semaphore, #tpu.memory_space<semaphore_mem>>
      %dma_start3A_81 = arith.constant 40 : i32
      %dma_start3A_82 = arith.constant 0 : i32
      %dma_start3A_83 = tpu.memref_slice %arg3[%add3A, %dma_start3A_81, %dma_start3A_82] : memref<32x80x128xi32, #tpu.memory_space<hbm>> -> memref<1x40x128xi32, #tpu.memory_space<hbm>>
      %dma_start3A_84 = tpu.memref_squeeze %dma_start3A_83 : memref<1x40x128xi32, #tpu.memory_space<hbm>> -> memref<40x128xi32, #tpu.memory_space<hbm>>
      %dma_start3A_85 = arith.constant 40 : i32
      %dma_start3A_86 = arith.constant 0 : i32
      %dma_start3A_87 = tpu.memref_slice %arg3[%add3A, %dma_start3A_85, %dma_start3A_86] : memref<32x80x128xi32, #tpu.memory_space<hbm>> -> memref<1x40x128xi32, #tpu.memory_space<hbm>>
      %dma_start3A_88 = tpu.memref_squeeze %dma_start3A_87 : memref<1x40x128xi32, #tpu.memory_space<hbm>> -> memref<40x128xi32, #tpu.memory_space<hbm>>
      tpu.enqueue_dma source(%dma_start3A_88 : memref<40x128xi32, #tpu.memory_space<hbm>>) target(%arg7 : memref<40x128xi32, #tpu.memory_space<vmem>>) target_semaphore(%run_scoped3A_80 : memref<!tpu.dma_semaphore, #tpu.memory_space<semaphore_mem>>)
      %dma_wait3A_89 = arith.constant 40 : i32
      %dma_wait3A_90 = arith.constant 0 : i32
      %dma_wait3A_91 = tpu.memref_slice %arg3[%add3A, %dma_wait3A_89, %dma_wait3A_90] : memref<32x80x128xi32, #tpu.memory_space<hbm>> -> memref<1x40x128xi32, #tpu.memory_space<hbm>>
      %dma_wait3A_92 = tpu.memref_squeeze %dma_wait3A_91 : memref<1x40x128xi32, #tpu.memory_space<hbm>> -> memref<40x128xi32, #tpu.memory_space<hbm>>
      %dma_wait3A_93 = arith.constant 40 : i32
      %dma_wait3A_94 = arith.constant 0 : i32
      %dma_wait3A_95 = tpu.memref_slice %arg3[%add3A, %dma_wait3A_93, %dma_wait3A_94] : memref<32x80x128xi32, #tpu.memory_space<hbm>> -> memref<1x40x128xi32, #tpu.memory_space<hbm>>
      %dma_wait3A_96 = tpu.memref_squeeze %dma_wait3A_95 : memref<1x40x128xi32, #tpu.memory_space<hbm>> -> memref<40x128xi32, #tpu.memory_space<hbm>>
      tpu.wait_dma2 semaphore(%run_scoped3A_80 : memref<!tpu.dma_semaphore, #tpu.memory_space<semaphore_mem>>) src(%dma_wait3A_96 : memref<40x128xi32, #tpu.memory_space<hbm>>) dst(%arg7 : memref<40x128xi32, #tpu.memory_space<vmem>>)
      tpu.yield
    }) : () -> ()
    "tpu.region"() ({
      %run_scoped3A_80 = tpu.sem_alloc : memref<!tpu.dma_semaphore, #tpu.memory_space<semaphore_mem>>
      %dma_start3A_81 = arith.constant 40 : i32
      %dma_start3A_82 = arith.constant 0 : i32
      %dma_start3A_83 = tpu.memref_slice %arg4[%add3A, %dma_start3A_81, %dma_start3A_82] : memref<32x80x128xi32, #tpu.memory_space<hbm>> -> memref<1x40x128xi32, #tpu.memory_space<hbm>>
      %dma_start3A_84 = tpu.memref_squeeze %dma_start3A_83 : memref<1x40x128xi32, #tpu.memory_space<hbm>> -> memref<40x128xi32, #tpu.memory_space<hbm>>
      %dma_start3A_85 = arith.constant 40 : i32
      %dma_start3A_86 = arith.constant 0 : i32
      %dma_start3A_87 = tpu.memref_slice %arg4[%add3A, %dma_start3A_85, %dma_start3A_86] : memref<32x80x128xi32, #tpu.memory_space<hbm>> -> memref<1x40x128xi32, #tpu.memory_space<hbm>>
      %dma_start3A_88 = tpu.memref_squeeze %dma_start3A_87 : memref<1x40x128xi32, #tpu.memory_space<hbm>> -> memref<40x128xi32, #tpu.memory_space<hbm>>
      tpu.enqueue_dma source(%dma_start3A_88 : memref<40x128xi32, #tpu.memory_space<hbm>>) target(%arg8 : memref<40x128xi32, #tpu.memory_space<vmem>>) target_semaphore(%run_scoped3A_80 : memref<!tpu.dma_semaphore, #tpu.memory_space<semaphore_mem>>)
      %dma_wait3A_89 = arith.constant 40 : i32
      %dma_wait3A_90 = arith.constant 0 : i32
      %dma_wait3A_91 = tpu.memref_slice %arg4[%add3A, %dma_wait3A_89, %dma_wait3A_90] : memref<32x80x128xi32, #tpu.memory_space<hbm>> -> memref<1x40x128xi32, #tpu.memory_space<hbm>>
      %dma_wait3A_92 = tpu.memref_squeeze %dma_wait3A_91 : memref<1x40x128xi32, #tpu.memory_space<hbm>> -> memref<40x128xi32, #tpu.memory_space<hbm>>
      %dma_wait3A_93 = arith.constant 40 : i32
      %dma_wait3A_94 = arith.constant 0 : i32
      %dma_wait3A_95 = tpu.memref_slice %arg4[%add3A, %dma_wait3A_93, %dma_wait3A_94] : memref<32x80x128xi32, #tpu.memory_space<hbm>> -> memref<1x40x128xi32, #tpu.memory_space<hbm>>
      %dma_wait3A_96 = tpu.memref_squeeze %dma_wait3A_95 : memref<1x40x128xi32, #tpu.memory_space<hbm>> -> memref<40x128xi32, #tpu.memory_space<hbm>>
      tpu.wait_dma2 semaphore(%run_scoped3A_80 : memref<!tpu.dma_semaphore, #tpu.memory_space<semaphore_mem>>) src(%dma_wait3A_96 : memref<40x128xi32, #tpu.memory_space<hbm>>) dst(%arg8 : memref<40x128xi32, #tpu.memory_space<vmem>>)
      tpu.yield
    }) : () -> ()
    %dma_start3A_39 = arith.constant 0 : i32
    %dma_start3A_40 = arith.constant 0 : i32
    %dma_start3A_41 = tpu.memref_slice %arg7[%dma_start3A_39, %dma_start3A_40] : memref<40x128xi32, #tpu.memory_space<vmem>> -> memref<1x128xi32, #tpu.memory_space<vmem>>
    %dma_start3A_42 = tpu.memref_squeeze %dma_start3A_41 : memref<1x128xi32, #tpu.memory_space<vmem>> -> memref<128xi32, #tpu.memory_space<vmem>>
    %dma_start3A_43 = arith.constant 0 : i32
    %dma_start3A_44 = arith.constant 0 : i32
    %dma_start3A_45 = tpu.memref_slice %arg2[%dma_start3A_43, %dma_start3A_44] : memref<10000x128xf32, #tpu.memory_space<hbm>> -> memref<10000x128xf32, #tpu.memory_space<hbm>>
    tpu.enqueue_indirect_dma source(%dma_start3A_45 : memref<10000x128xf32, #tpu.memory_space<hbm>>) target(%arg9 : memref<128x128xf32, #tpu.memory_space<vmem>>) offsets(%dma_start3A_42 : memref<128xi32, #tpu.memory_space<vmem>>) semaphore(%arg12 : memref<!tpu.dma_semaphore, #tpu.memory_space<semaphore_mem>>)
    %dma_start3A_46 = arith.constant 1 : i32
    %dma_start3A_47 = arith.constant 0 : i32
    %dma_start3A_48 = tpu.memref_slice %arg7[%dma_start3A_46, %dma_start3A_47] : memref<40x128xi32, #tpu.memory_space<vmem>> -> memref<1x128xi32, #tpu.memory_space<vmem>>
    %dma_start3A_49 = tpu.memref_squeeze %dma_start3A_48 : memref<1x128xi32, #tpu.memory_space<vmem>> -> memref<128xi32, #tpu.memory_space<vmem>>
    %dma_start3A_50 = arith.constant 0 : i32
    %dma_start3A_51 = arith.constant 0 : i32
    %dma_start3A_52 = tpu.memref_slice %arg2[%dma_start3A_50, %dma_start3A_51] : memref<10000x128xf32, #tpu.memory_space<hbm>> -> memref<10000x128xf32, #tpu.memory_space<hbm>>
    tpu.enqueue_indirect_dma source(%dma_start3A_52 : memref<10000x128xf32, #tpu.memory_space<hbm>>) target(%arg10 : memref<128x128xf32, #tpu.memory_space<vmem>>) offsets(%dma_start3A_49 : memref<128xi32, #tpu.memory_space<vmem>>) semaphore(%arg13 : memref<!tpu.dma_semaphore, #tpu.memory_space<semaphore_mem>>)
    %scan3A_53 = arith.constant 0 : i32
    %scan3A_54 = arith.constant 0 : i32
    %scan3A_55 = arith.constant 19 : i32
    %scan3A_56 = arith.addi %scan3A_54, %scan3A_55 : i32
    %scan3A_57 = arith.constant 1 : i32
    scf.for %scan3A_80 = %scan3A_54 to %scan3A_56 step %scan3A_57  : i32 {
      %mul3A_81 = arith.constant 2 : i32
      %mul3A_82 = arith.muli %scan3A_80, %mul3A_81 : i32
      %add3A_83 = arith.constant 0 : i32
      %add3A_84 = arith.addi %mul3A_82, %add3A_83 : i32
      %dma_wait3A_85 = arith.constant 0 : i32
      %dma_wait3A_86 = tpu.memref_slice %arg7[%add3A_84, %dma_wait3A_85] : memref<40x128xi32, #tpu.memory_space<vmem>> -> memref<1x128xi32, #tpu.memory_space<vmem>>
      %dma_wait3A_87 = tpu.memref_squeeze %dma_wait3A_86 : memref<1x128xi32, #tpu.memory_space<vmem>> -> memref<128xi32, #tpu.memory_space<vmem>>
      %dma_wait3A_88 = arith.constant 0 : i32
      %dma_wait3A_89 = arith.constant 0 : i32
      %dma_wait3A_90 = tpu.memref_slice %arg2[%dma_wait3A_88, %dma_wait3A_89] : memref<10000x128xf32, #tpu.memory_space<hbm>> -> memref<10000x128xf32, #tpu.memory_space<hbm>>
      tpu.wait_indirect_dma semaphore(%arg12 : memref<!tpu.dma_semaphore, #tpu.memory_space<semaphore_mem>>) src(%dma_wait3A_90 : memref<10000x128xf32, #tpu.memory_space<hbm>>) dst(%arg9 : memref<128x128xf32, #tpu.memory_space<vmem>>)
      "tpu.region"() ({
        %run_scoped3A_117 = tpu.sem_alloc : memref<!tpu.dma_semaphore, #tpu.memory_space<semaphore_mem>>
        %dma_start3A_118 = arith.constant 0 : i32
        %dma_start3A_119 = tpu.memref_slice %arg8[%add3A_84, %dma_start3A_118] : memref<40x128xi32, #tpu.memory_space<vmem>> -> memref<1x128xi32, #tpu.memory_space<vmem>>
        %dma_start3A_120 = tpu.memref_squeeze %dma_start3A_119 : memref<1x128xi32, #tpu.memory_space<vmem>> -> memref<128xi32, #tpu.memory_space<vmem>>
        %dma_start3A_121 = arith.constant 0 : i32
        %dma_start3A_122 = arith.constant 0 : i32
        %dma_start3A_123 = tpu.memref_slice %arg11[%dma_start3A_121, %dma_start3A_122] : memref<10112x128xf32, #tpu.memory_space<vmem_shared>> -> memref<10112x128xf32, #tpu.memory_space<vmem_shared>>
        tpu.enqueue_indirect_dma source(%arg9 : memref<128x128xf32, #tpu.memory_space<vmem>>) target(%dma_start3A_123 : memref<10112x128xf32, #tpu.memory_space<vmem_shared>>) offsets(%dma_start3A_120 : memref<128xi32, #tpu.memory_space<vmem>>) semaphore(%run_scoped3A_117 : memref<!tpu.dma_semaphore, #tpu.memory_space<semaphore_mem>>) {add = true}
        %dma_wait3A_124 = arith.constant 0 : i32
        %dma_wait3A_125 = tpu.memref_slice %arg8[%add3A_84, %dma_wait3A_124] : memref<40x128xi32, #tpu.memory_space<vmem>> -> memref<1x128xi32, #tpu.memory_space<vmem>>
        %dma_wait3A_126 = tpu.memref_squeeze %dma_wait3A_125 : memref<1x128xi32, #tpu.memory_space<vmem>> -> memref<128xi32, #tpu.memory_space<vmem>>
        %dma_wait3A_127 = arith.constant 0 : i32
        %dma_wait3A_128 = arith.constant 0 : i32
        %dma_wait3A_129 = tpu.memref_slice %arg11[%dma_wait3A_127, %dma_wait3A_128] : memref<10112x128xf32, #tpu.memory_space<vmem_shared>> -> memref<10112x128xf32, #tpu.memory_space<vmem_shared>>
        tpu.wait_indirect_dma semaphore(%run_scoped3A_117 : memref<!tpu.dma_semaphore, #tpu.memory_space<semaphore_mem>>) src(%arg9 : memref<128x128xf32, #tpu.memory_space<vmem>>) dst(%dma_wait3A_129 : memref<10112x128xf32, #tpu.memory_space<vmem_shared>>)
        tpu.yield
      }) : () -> ()
      %add3A_91 = arith.constant 2 : i32
      %add3A_92 = arith.addi %add3A_84, %add3A_91 : i32
      %dma_start3A_93 = arith.constant 0 : i32
      %dma_start3A_94 = tpu.memref_slice %arg7[%add3A_92, %dma_start3A_93] : memref<40x128xi32, #tpu.memory_space<vmem>> -> memref<1x128xi32, #tpu.memory_space<vmem>>
      %dma_start3A_95 = tpu.memref_squeeze %dma_start3A_94 : memref<1x128xi32, #tpu.memory_space<vmem>> -> memref<128xi32, #tpu.memory_space<vmem>>
      %dma_start3A_96 = arith.constant 0 : i32
      %dma_start3A_97 = arith.constant 0 : i32
      %dma_start3A_98 = tpu.memref_slice %arg2[%dma_start3A_96, %dma_start3A_97] : memref<10000x128xf32, #tpu.memory_space<hbm>> -> memref<10000x128xf32, #tpu.memory_space<hbm>>
      tpu.enqueue_indirect_dma source(%dma_start3A_98 : memref<10000x128xf32, #tpu.memory_space<hbm>>) target(%arg9 : memref<128x128xf32, #tpu.memory_space<vmem>>) offsets(%dma_start3A_95 : memref<128xi32, #tpu.memory_space<vmem>>) semaphore(%arg12 : memref<!tpu.dma_semaphore, #tpu.memory_space<semaphore_mem>>)
      %mul3A_99 = arith.constant 2 : i32
      %mul3A_100 = arith.muli %scan3A_80, %mul3A_99 : i32
      %add3A_101 = arith.constant 1 : i32
      %add3A_102 = arith.addi %mul3A_100, %add3A_101 : i32
      %dma_wait3A_103 = arith.constant 0 : i32
      %dma_wait3A_104 = tpu.memref_slice %arg7[%add3A_102, %dma_wait3A_103] : memref<40x128xi32, #tpu.memory_space<vmem>> -> memref<1x128xi32, #tpu.memory_space<vmem>>
      %dma_wait3A_105 = tpu.memref_squeeze %dma_wait3A_104 : memref<1x128xi32, #tpu.memory_space<vmem>> -> memref<128xi32, #tpu.memory_space<vmem>>
      %dma_wait3A_106 = arith.constant 0 : i32
      %dma_wait3A_107 = arith.constant 0 : i32
      %dma_wait3A_108 = tpu.memref_slice %arg2[%dma_wait3A_106, %dma_wait3A_107] : memref<10000x128xf32, #tpu.memory_space<hbm>> -> memref<10000x128xf32, #tpu.memory_space<hbm>>
      tpu.wait_indirect_dma semaphore(%arg13 : memref<!tpu.dma_semaphore, #tpu.memory_space<semaphore_mem>>) src(%dma_wait3A_108 : memref<10000x128xf32, #tpu.memory_space<hbm>>) dst(%arg10 : memref<128x128xf32, #tpu.memory_space<vmem>>)
      "tpu.region"() ({
        %run_scoped3A_117 = tpu.sem_alloc : memref<!tpu.dma_semaphore, #tpu.memory_space<semaphore_mem>>
        %dma_start3A_118 = arith.constant 0 : i32
        %dma_start3A_119 = tpu.memref_slice %arg8[%add3A_102, %dma_start3A_118] : memref<40x128xi32, #tpu.memory_space<vmem>> -> memref<1x128xi32, #tpu.memory_space<vmem>>
        %dma_start3A_120 = tpu.memref_squeeze %dma_start3A_119 : memref<1x128xi32, #tpu.memory_space<vmem>> -> memref<128xi32, #tpu.memory_space<vmem>>
        %dma_start3A_121 = arith.constant 0 : i32
        %dma_start3A_122 = arith.constant 0 : i32
        %dma_start3A_123 = tpu.memref_slice %arg11[%dma_start3A_121, %dma_start3A_122] : memref<10112x128xf32, #tpu.memory_space<vmem_shared>> -> memref<10112x128xf32, #tpu.memory_space<vmem_shared>>
        tpu.enqueue_indirect_dma source(%arg10 : memref<128x128xf32, #tpu.memory_space<vmem>>) target(%dma_start3A_123 : memref<10112x128xf32, #tpu.memory_space<vmem_shared>>) offsets(%dma_start3A_120 : memref<128xi32, #tpu.memory_space<vmem>>) semaphore(%run_scoped3A_117 : memref<!tpu.dma_semaphore, #tpu.memory_space<semaphore_mem>>) {add = true}
        %dma_wait3A_124 = arith.constant 0 : i32
        %dma_wait3A_125 = tpu.memref_slice %arg8[%add3A_102, %dma_wait3A_124] : memref<40x128xi32, #tpu.memory_space<vmem>> -> memref<1x128xi32, #tpu.memory_space<vmem>>
        %dma_wait3A_126 = tpu.memref_squeeze %dma_wait3A_125 : memref<1x128xi32, #tpu.memory_space<vmem>> -> memref<128xi32, #tpu.memory_space<vmem>>
        %dma_wait3A_127 = arith.constant 0 : i32
        %dma_wait3A_128 = arith.constant 0 : i32
        %dma_wait3A_129 = tpu.memref_slice %arg11[%dma_wait3A_127, %dma_wait3A_128] : memref<10112x128xf32, #tpu.memory_space<vmem_shared>> -> memref<10112x128xf32, #tpu.memory_space<vmem_shared>>
        tpu.wait_indirect_dma semaphore(%run_scoped3A_117 : memref<!tpu.dma_semaphore, #tpu.memory_space<semaphore_mem>>) src(%arg10 : memref<128x128xf32, #tpu.memory_space<vmem>>) dst(%dma_wait3A_129 : memref<10112x128xf32, #tpu.memory_space<vmem_shared>>)
        tpu.yield
      }) : () -> ()
      %add3A_109 = arith.constant 2 : i32
      %add3A_110 = arith.addi %add3A_102, %add3A_109 : i32
      %dma_start3A_111 = arith.constant 0 : i32
      %dma_start3A_112 = tpu.memref_slice %arg7[%add3A_110, %dma_start3A_111] : memref<40x128xi32, #tpu.memory_space<vmem>> -> memref<1x128xi32, #tpu.memory_space<vmem>>
      %dma_start3A_113 = tpu.memref_squeeze %dma_start3A_112 : memref<1x128xi32, #tpu.memory_space<vmem>> -> memref<128xi32, #tpu.memory_space<vmem>>
      %dma_start3A_114 = arith.constant 0 : i32
      %dma_start3A_115 = arith.constant 0 : i32
      %dma_start3A_116 = tpu.memref_slice %arg2[%dma_start3A_114, %dma_start3A_115] : memref<10000x128xf32, #tpu.memory_space<hbm>> -> memref<10000x128xf32, #tpu.memory_space<hbm>>
      tpu.enqueue_indirect_dma source(%dma_start3A_116 : memref<10000x128xf32, #tpu.memory_space<hbm>>) target(%arg10 : memref<128x128xf32, #tpu.memory_space<vmem>>) offsets(%dma_start3A_113 : memref<128xi32, #tpu.memory_space<vmem>>) semaphore(%arg13 : memref<!tpu.dma_semaphore, #tpu.memory_space<semaphore_mem>>)
    }
    %scan3A_58 = arith.constant 19 : i32
    %dma_wait3A_59 = arith.constant 38 : i32
    %dma_wait3A_60 = arith.constant 0 : i32
    %dma_wait3A_61 = tpu.memref_slice %arg7[%dma_wait3A_59, %dma_wait3A_60] : memref<40x128xi32, #tpu.memory_space<vmem>> -> memref<1x128xi32, #tpu.memory_space<vmem>>
    %dma_wait3A_62 = tpu.memref_squeeze %dma_wait3A_61 : memref<1x128xi32, #tpu.memory_space<vmem>> -> memref<128xi32, #tpu.memory_space<vmem>>
    %dma_wait3A_63 = arith.constant 0 : i32
    %dma_wait3A_64 = arith.constant 0 : i32
    %dma_wait3A_65 = tpu.memref_slice %arg2[%dma_wait3A_63, %dma_wait3A_64] : memref<10000x128xf32, #tpu.memory_space<hbm>> -> memref<10000x128xf32, #tpu.memory_space<hbm>>
    tpu.wait_indirect_dma semaphore(%arg12 : memref<!tpu.dma_semaphore, #tpu.memory_space<semaphore_mem>>) src(%dma_wait3A_65 : memref<10000x128xf32, #tpu.memory_space<hbm>>) dst(%arg9 : memref<128x128xf32, #tpu.memory_space<vmem>>)
    %run_scoped3A_66 = arith.constant 38 : i32
    "tpu.region"() ({
      %run_scoped3A_80 = tpu.sem_alloc : memref<!tpu.dma_semaphore, #tpu.memory_space<semaphore_mem>>
      %dma_start3A_81 = arith.constant 0 : i32
      %dma_start3A_82 = tpu.memref_slice %arg8[%run_scoped3A_66, %dma_start3A_81] : memref<40x128xi32, #tpu.memory_space<vmem>> -> memref<1x128xi32, #tpu.memory_space<vmem>>
      %dma_start3A_83 = tpu.memref_squeeze %dma_start3A_82 : memref<1x128xi32, #tpu.memory_space<vmem>> -> memref<128xi32, #tpu.memory_space<vmem>>
      %dma_start3A_84 = arith.constant 0 : i32
      %dma_start3A_85 = arith.constant 0 : i32
      %dma_start3A_86 = tpu.memref_slice %arg11[%dma_start3A_84, %dma_start3A_85] : memref<10112x128xf32, #tpu.memory_space<vmem_shared>> -> memref<10112x128xf32, #tpu.memory_space<vmem_shared>>
      tpu.enqueue_indirect_dma source(%arg9 : memref<128x128xf32, #tpu.memory_space<vmem>>) target(%dma_start3A_86 : memref<10112x128xf32, #tpu.memory_space<vmem_shared>>) offsets(%dma_start3A_83 : memref<128xi32, #tpu.memory_space<vmem>>) semaphore(%run_scoped3A_80 : memref<!tpu.dma_semaphore, #tpu.memory_space<semaphore_mem>>) {add = true}
      %dma_wait3A_87 = arith.constant 0 : i32
      %dma_wait3A_88 = tpu.memref_slice %arg8[%run_scoped3A_66, %dma_wait3A_87] : memref<40x128xi32, #tpu.memory_space<vmem>> -> memref<1x128xi32, #tpu.memory_space<vmem>>
      %dma_wait3A_89 = tpu.memref_squeeze %dma_wait3A_88 : memref<1x128xi32, #tpu.memory_space<vmem>> -> memref<128xi32, #tpu.memory_space<vmem>>
      %dma_wait3A_90 = arith.constant 0 : i32
      %dma_wait3A_91 = arith.constant 0 : i32
      %dma_wait3A_92 = tpu.memref_slice %arg11[%dma_wait3A_90, %dma_wait3A_91] : memref<10112x128xf32, #tpu.memory_space<vmem_shared>> -> memref<10112x128xf32, #tpu.memory_space<vmem_shared>>
      tpu.wait_indirect_dma semaphore(%run_scoped3A_80 : memref<!tpu.dma_semaphore, #tpu.memory_space<semaphore_mem>>) src(%arg9 : memref<128x128xf32, #tpu.memory_space<vmem>>) dst(%dma_wait3A_92 : memref<10112x128xf32, #tpu.memory_space<vmem_shared>>)
      tpu.yield
    }) : () -> ()
    %dma_wait3A_67 = arith.constant 39 : i32
    %dma_wait3A_68 = arith.constant 0 : i32
    %dma_wait3A_69 = tpu.memref_slice %arg7[%dma_wait3A_67, %dma_wait3A_68] : memref<40x128xi32, #tpu.memory_space<vmem>> -> memref<1x128xi32, #tpu.memory_space<vmem>>
    %dma_wait3A_70 = tpu.memref_squeeze %dma_wait3A_69 : memref<1x128xi32, #tpu.memory_space<vmem>> -> memref<128xi32, #tpu.memory_space<vmem>>
    %dma_wait3A_71 = arith.constant 0 : i32
    %dma_wait3A_72 = arith.constant 0 : i32
    %dma_wait3A_73 = tpu.memref_slice %arg2[%dma_wait3A_71, %dma_wait3A_72] : memref<10000x128xf32, #tpu.memory_space<hbm>> -> memref<10000x128xf32, #tpu.memory_space<hbm>>
    tpu.wait_indirect_dma semaphore(%arg13 : memref<!tpu.dma_semaphore, #tpu.memory_space<semaphore_mem>>) src(%dma_wait3A_73 : memref<10000x128xf32, #tpu.memory_space<hbm>>) dst(%arg10 : memref<128x128xf32, #tpu.memory_space<vmem>>)
    %run_scoped3A_74 = arith.constant 39 : i32
    "tpu.region"() ({
      %run_scoped3A_80 = tpu.sem_alloc : memref<!tpu.dma_semaphore, #tpu.memory_space<semaphore_mem>>
      %dma_start3A_81 = arith.constant 0 : i32
      %dma_start3A_82 = tpu.memref_slice %arg8[%run_scoped3A_74, %dma_start3A_81] : memref<40x128xi32, #tpu.memory_space<vmem>> -> memref<1x128xi32, #tpu.memory_space<vmem>>
      %dma_start3A_83 = tpu.memref_squeeze %dma_start3A_82 : memref<1x128xi32, #tpu.memory_space<vmem>> -> memref<128xi32, #tpu.memory_space<vmem>>
      %dma_start3A_84 = arith.constant 0 : i32
      %dma_start3A_85 = arith.constant 0 : i32
      %dma_start3A_86 = tpu.memref_slice %arg11[%dma_start3A_84, %dma_start3A_85] : memref<10112x128xf32, #tpu.memory_space<vmem_shared>> -> memref<10112x128xf32, #tpu.memory_space<vmem_shared>>
      tpu.enqueue_indirect_dma source(%arg10 : memref<128x128xf32, #tpu.memory_space<vmem>>) target(%dma_start3A_86 : memref<10112x128xf32, #tpu.memory_space<vmem_shared>>) offsets(%dma_start3A_83 : memref<128xi32, #tpu.memory_space<vmem>>) semaphore(%run_scoped3A_80 : memref<!tpu.dma_semaphore, #tpu.memory_space<semaphore_mem>>) {add = true}
      %dma_wait3A_87 = arith.constant 0 : i32
      %dma_wait3A_88 = tpu.memref_slice %arg8[%run_scoped3A_74, %dma_wait3A_87] : memref<40x128xi32, #tpu.memory_space<vmem>> -> memref<1x128xi32, #tpu.memory_space<vmem>>
      %dma_wait3A_89 = tpu.memref_squeeze %dma_wait3A_88 : memref<1x128xi32, #tpu.memory_space<vmem>> -> memref<128xi32, #tpu.memory_space<vmem>>
      %dma_wait3A_90 = arith.constant 0 : i32
      %dma_wait3A_91 = arith.constant 0 : i32
      %dma_wait3A_92 = tpu.memref_slice %arg11[%dma_wait3A_90, %dma_wait3A_91] : memref<10112x128xf32, #tpu.memory_space<vmem_shared>> -> memref<10112x128xf32, #tpu.memory_space<vmem_shared>>
      tpu.wait_indirect_dma semaphore(%run_scoped3A_80 : memref<!tpu.dma_semaphore, #tpu.memory_space<semaphore_mem>>) src(%arg10 : memref<128x128xf32, #tpu.memory_space<vmem>>) dst(%dma_wait3A_92 : memref<10112x128xf32, #tpu.memory_space<vmem_shared>>)
      tpu.yield
    }) : () -> ()
    %barrier3A_75 = arith.constant 0 : index
    tpu.barrier barrier_id(%barrier3A_75)
    %mul3A_76 = arith.constant 632 : i32
    %mul3A_77 = arith.muli %arg1, %mul3A_76 : i32
    %mul3A_78 = arith.constant 632 : i32
    %mul3A_79 = arith.muli %arg1, %mul3A_78 : i32
    "tpu.region"() ({
      %run_scoped3A_80 = tpu.sem_alloc : memref<!tpu.dma_semaphore, #tpu.memory_space<semaphore_mem>>
      %dma_start3A_81 = arith.constant 0 : i32
      %dma_start3A_82 = tpu.memref_slice %arg6[%arg0, %mul3A_79, %dma_start3A_81] : memref<2x10112x128xf32, #tpu.memory_space<hbm>> -> memref<1x632x128xf32, #tpu.memory_space<hbm>>
      %dma_start3A_83 = tpu.memref_squeeze %dma_start3A_82 : memref<1x632x128xf32, #tpu.memory_space<hbm>> -> memref<632x128xf32, #tpu.memory_space<hbm>>
      %dma_start3A_84 = arith.constant 0 : i32
      %dma_start3A_85 = tpu.memref_slice %arg11[%mul3A_77, %dma_start3A_84] : memref<10112x128xf32, #tpu.memory_space<vmem_shared>> -> memref<632x128xf32, #tpu.memory_space<vmem_shared>>
      tpu.enqueue_dma source(%dma_start3A_85 : memref<632x128xf32, #tpu.memory_space<vmem_shared>>) target(%dma_start3A_83 : memref<632x128xf32, #tpu.memory_space<hbm>>) target_semaphore(%run_scoped3A_80 : memref<!tpu.dma_semaphore, #tpu.memory_space<semaphore_mem>>)
      %dma_wait3A_86 = arith.constant 0 : i32
      %dma_wait3A_87 = tpu.memref_slice %arg6[%arg0, %mul3A_79, %dma_wait3A_86] : memref<2x10112x128xf32, #tpu.memory_space<hbm>> -> memref<1x632x128xf32, #tpu.memory_space<hbm>>
      %dma_wait3A_88 = tpu.memref_squeeze %dma_wait3A_87 : memref<1x632x128xf32, #tpu.memory_space<hbm>> -> memref<632x128xf32, #tpu.memory_space<hbm>>
      %dma_wait3A_89 = arith.constant 0 : i32
      %dma_wait3A_90 = tpu.memref_slice %arg11[%mul3A_77, %dma_wait3A_89] : memref<10112x128xf32, #tpu.memory_space<vmem_shared>> -> memref<632x128xf32, #tpu.memory_space<vmem_shared>>
      tpu.wait_dma2 semaphore(%run_scoped3A_80 : memref<!tpu.dma_semaphore, #tpu.memory_space<semaphore_mem>>) src(%dma_wait3A_90 : memref<632x128xf32, #tpu.memory_space<vmem_shared>>) dst(%dma_wait3A_88 : memref<632x128xf32, #tpu.memory_space<hbm>>)
      tpu.yield
    }) : () -> ()
    return
  }
}

module attributes {stable_mosaic.version = 14 : i64} {
  func.func @_mlp_body(%arg0: i32, %arg1: memref<2000x128xf32, #tpu.memory_space<vmem>>, %arg2: memref<2x2000x128xf32, #tpu.memory_space<vmem>>, %arg3: memref<1x1xf32, #tpu.memory_space<smem>>, %arg4: memref<128x128xf32, #tpu.memory_space<vmem>>, %arg5: memref<1x128xf32, #tpu.memory_space<vmem>>, %arg6: memref<128x128xf32, #tpu.memory_space<vmem>>, %arg7: memref<1x128xf32, #tpu.memory_space<vmem>>, %arg8: memref<2000x128xf32, #tpu.memory_space<vmem>>) attributes {dimension_semantics = [#tpu.dimension_semantics<arbitrary>], iteration_bounds = array<i64: 5>, scalar_prefetch = 0 : i64, scratch_operands = 0 : i64, tpu.core_type = #tpu.core_type<tc>, window_params = [{transform_indices = @transform_0, window_bounds = array<i64: 2000, 128>}, {transform_indices = @transform_1, window_bounds = array<i64: 2, 2000, 128>}, {transform_indices = @transform_2, window_bounds = array<i64: 1, 1>}, {pipeline_mode = #tpu.pipeline_mode<synchronous>, transform_indices = @transform_3, window_bounds = array<i64: 128, 128>}, {pipeline_mode = #tpu.pipeline_mode<synchronous>, transform_indices = @transform_4, window_bounds = array<i64: 1, 128>}, {pipeline_mode = #tpu.pipeline_mode<synchronous>, transform_indices = @transform_5, window_bounds = array<i64: 128, 128>}, {pipeline_mode = #tpu.pipeline_mode<synchronous>, transform_indices = @transform_6, window_bounds = array<i64: 1, 128>}, {transform_indices = @transform_7, window_bounds = array<i64: 2000, 128>}]} {
    %get3A = arith.constant 0 : index
    %get3A_0 = arith.constant 0 : index
    %get3A_1 = memref.load %arg3[%get3A, %get3A_0] : memref<1x1xf32, #tpu.memory_space<smem>>
    %add3A = arith.constant 1.000000e+00 : f32
    %add3A_2 = arith.addf %add3A, %get3A_1 : f32
    %get3A_3 = arith.constant 0 : index
    %get3A_4 = arith.constant 0 : index
    %get3A_5 = vector.load %arg1[%get3A_3, %get3A_4] : memref<2000x128xf32, #tpu.memory_space<vmem>>, vector<2000x128xf32>
    %mul3A = vector.broadcast %add3A_2 : f32 to vector<2000x128xf32>
    %mul3A_6 = arith.mulf %mul3A, %get3A_5 : vector<2000x128xf32>
    %get3A_7 = arith.constant 0 : index
    %get3A_8 = arith.constant 0 : index
    %get3A_9 = arith.constant 0 : index
    %get3A_10 = vector.load %arg2[%get3A_7, %get3A_8, %get3A_9] : memref<2x2000x128xf32, #tpu.memory_space<vmem>>, vector<1x2000x128xf32>
    %get3A_11 = vector.shape_cast %get3A_10 : vector<1x2000x128xf32> to vector<2000x128xf32>
    %add3A_12 = arith.addf %mul3A_6, %get3A_11 : vector<2000x128xf32>
    %get3A_13 = arith.constant 1 : index
    %get3A_14 = arith.constant 0 : index
    %get3A_15 = arith.constant 0 : index
    %get3A_16 = vector.load %arg2[%get3A_13, %get3A_14, %get3A_15] : memref<2x2000x128xf32, #tpu.memory_space<vmem>>, vector<1x2000x128xf32>
    %get3A_17 = vector.shape_cast %get3A_16 : vector<1x2000x128xf32> to vector<2000x128xf32>
    %add3A_18 = arith.addf %add3A_12, %get3A_17 : vector<2000x128xf32>
    %get3A_19 = arith.constant 0 : index
    %get3A_20 = arith.constant 0 : index
    %get3A_21 = vector.load %arg4[%get3A_19, %get3A_20] : memref<128x128xf32, #tpu.memory_space<vmem>>, vector<128x128xf32>
    %dot_general3A = arith.constant dense<0.000000e+00> : vector<2000x128xf32>
    %dot_general3A_22 = tpu.matmul %add3A_18, %get3A_21, %dot_general3A {dimension_numbers = #tpu.dot_dimension_numbers<[1], [0], [0], [1], [0, 0, 1, 1], [], []>, transpose_lhs_hint = false} : vector<2000x128xf32>, vector<128x128xf32>, vector<2000x128xf32> -> vector<2000x128xf32>
    %get3A_23 = arith.constant 0 : index
    %get3A_24 = arith.constant 0 : index
    %get3A_25 = vector.load %arg5[%get3A_23, %get3A_24] : memref<1x128xf32, #tpu.memory_space<vmem>>, vector<1x128xf32>
    %add3A_26 = vector.broadcast %get3A_25 : vector<1x128xf32> to vector<2000x128xf32>
    %add3A_27 = arith.addf %dot_general3A_22, %add3A_26 : vector<2000x128xf32>
    %max3A = arith.constant 0.000000e+00 : f32
    %max3A_28 = vector.broadcast %max3A : f32 to vector<2000x128xf32>
    %max3A_29 = arith.maximumf %add3A_27, %max3A_28 : vector<2000x128xf32>
    %get3A_30 = arith.constant 0 : index
    %get3A_31 = arith.constant 0 : index
    %get3A_32 = vector.load %arg6[%get3A_30, %get3A_31] : memref<128x128xf32, #tpu.memory_space<vmem>>, vector<128x128xf32>
    %dot_general3A_33 = arith.constant dense<0.000000e+00> : vector<2000x128xf32>
    %dot_general3A_34 = tpu.matmul %max3A_29, %get3A_32, %dot_general3A_33 {dimension_numbers = #tpu.dot_dimension_numbers<[1], [0], [0], [1], [0, 0, 1, 1], [], []>, transpose_lhs_hint = false} : vector<2000x128xf32>, vector<128x128xf32>, vector<2000x128xf32> -> vector<2000x128xf32>
    %get3A_35 = arith.constant 0 : index
    %get3A_36 = arith.constant 0 : index
    %get3A_37 = vector.load %arg7[%get3A_35, %get3A_36] : memref<1x128xf32, #tpu.memory_space<vmem>>, vector<1x128xf32>
    %add3A_38 = vector.broadcast %get3A_37 : vector<1x128xf32> to vector<2000x128xf32>
    %add3A_39 = arith.addf %dot_general3A_34, %add3A_38 : vector<2000x128xf32>
    %swap3A = arith.constant 0 : index
    %swap3A_40 = arith.constant 0 : index
    %swap3A_41 = vector.load %arg8[%swap3A, %swap3A_40] : memref<2000x128xf32, #tpu.memory_space<vmem>>, vector<2000x128xf32>
    tpu.vector_store %arg8[%swap3A, %swap3A_40], %add3A_39 {strides = array<i32>} : memref<2000x128xf32, #tpu.memory_space<vmem>>, vector<2000x128xf32>,
    return
  }
  func.func @transform_0(%arg0: i32) -> (i32, i32) {
    %c0_i32 = arith.constant 0 : i32
    %c0_i32_0 = arith.constant 0 : i32
    return %arg0, %c0_i32 : i32, i32
  }
  func.func @transform_1(%arg0: i32) -> (i32, i32, i32) {
    %c0_i32 = arith.constant 0 : i32
    %c0_i32_0 = arith.constant 0 : i32
    %c0_i32_1 = arith.constant 0 : i32
    return %c0_i32, %arg0, %c0_i32_0 : i32, i32, i32
  }
  func.func @transform_2(%arg0: i32) -> (i32, i32) {
    %c0_i32 = arith.constant 0 : i32
    %c0_i32_0 = arith.constant 0 : i32
    %c0_i32_1 = arith.constant 0 : i32
    return %c0_i32, %c0_i32_0 : i32, i32
  }
  func.func @transform_3(%arg0: i32) -> (i32, i32) {
    %c0_i32 = arith.constant 0 : i32
    %c0_i32_0 = arith.constant 0 : i32
    %c0_i32_1 = arith.constant 0 : i32
    return %c0_i32, %c0_i32_0 : i32, i32
  }
  func.func @transform_4(%arg0: i32) -> (i32, i32) {
    %c0_i32 = arith.constant 0 : i32
    %c0_i32_0 = arith.constant 0 : i32
    %c0_i32_1 = arith.constant 0 : i32
    return %c0_i32, %c0_i32_0 : i32, i32
  }
  func.func @transform_5(%arg0: i32) -> (i32, i32) {
    %c0_i32 = arith.constant 0 : i32
    %c0_i32_0 = arith.constant 0 : i32
    %c0_i32_1 = arith.constant 0 : i32
    return %c0_i32, %c0_i32_0 : i32, i32
  }
  func.func @transform_6(%arg0: i32) -> (i32, i32) {
    %c0_i32 = arith.constant 0 : i32
    %c0_i32_0 = arith.constant 0 : i32
    %c0_i32_1 = arith.constant 0 : i32
    return %c0_i32, %c0_i32_0 : i32, i32
  }
  func.func @transform_7(%arg0: i32) -> (i32, i32) {
    %c0_i32 = arith.constant 0 : i32
    %c0_i32_0 = arith.constant 0 : i32
    return %arg0, %c0_i32 : i32, i32
  }
}

</mosaic_0001>

<sc_bundles>
// kernel: kernel.4.cloned.1.call-start
scs
__scs_entry_jumppad:
0x0: {  	(pc) =	sbr.rel $0x88, $3  }
0x1: {  	(tag) =	ssettag $0x0;
	lr =	simm.s32 $0x1  }
0x2: {  	[smem:$0x3F9A] =	sst lr;
	_ =	strace $0xD0000000  }
0x3: {  	_ = 	snop  }
0x4: {  	_ = 	snop  }
0x5: {  	_ = 	snop  }
0x6: {  	_ = 	snop  }
0x7: {  	_ = 	snop  }
__scs_overlays_trampoline_lowered:
0x8: {  	[smem:$0x3FA9] =	sst s0  }
0x9: {  	[smem:$0x3FAA] =	sst s1  }
0xa: {  	[smem:$0x3FAB] =	sst s2  }
0xb: {  	[smem:$0x3FAC] =	sst s3  }
0xc: {  	[smem:$0x3FAD] =	sst s4  }
0xd: {  	[smem:$0x3FAE] =	sst s5  }
0xe: {  	[smem:$0x3FAF] =	sst s6  }
0xf: {  	[smem:$0x3FB0] =	sst s7  }
0x10: {  	[smem:$0x3FB1] =	sst s8  }
0x11: {  	[smem:$0x3FB2] =	sst s9;
	s0 =	simm.s32 @!p0 $0x0  }
0x12: {  	s1 =	sld [smem:$0x3F98];
	s0 =	simm.s32 @p0 $0x1  }
0x13: {  	[smem:$0x3FB3] =	sst s0;
	s0 =	simm.s32 @!p1 $0x0  }
0x14: {  	s2 =	sld [smem:$0x3F97];
	s0 =	simm.s32 @p1 $0x1  }
0x15: {  	[smem:$0x3FB4] =	sst s0;
	s0 =	simm.s32 @!p2 $0x0  }
0x16: {  	s3 =	sld [smem:$0x3FDB];
	s0 =	simm.s32 @p2 $0x1  }
0x17: {  	s4 =	simm.s32 $0x1BF5;
	[smem:$0x3FB6] =	sst s0  }
0x18: {  	s0 =	sld [smem:$0x3F99];
	_ =	swait.ge [sflag:s4], $0x0  }
0x19: {  	s7 =	sld [smem:$0x3F9A]  }
0x1a: {  	s8 =	sadd.s32 $0xFFFFE003, lr  }
0x1b: {  	s9 =	sadd.s32 $0xFFFFFEF7, lr;
	s5 =	simm.s32 $0xFFFFFFFF;
	p2 =	slt.u32 s8, $0xFFFFF086  }
0x1c: {  	p1 =	slt.u32 s9, $0xF7A;
	s5 =	simm.s32 @!p2 $0x0  }
0x1d: {  	s5 =	simm.s32 @p1 $0x1;
	p0 =	seq.s32 s7, s2  }
0x1e: {  	s7 =	smul.u32 @!p0 $0xF7A, s2;
	p2 =	seq.s32 @!p0 s5, $0x0  }
0x1f: {  	s9 =	smul.u32 $0xF7A, s1;
	s8 =	simm.s32 @!p0 $0x1BF5;
	p2 =	por !p2, p0  }
0x20: {  	[sflag:s8] =	ssyncset.s32 @!p0 $0xFFFFF086;
	s6 =	sadd.s32 @!p0 s3, s7;
	s7 =	simm.s32 @!p0 $0x108  }
0x21: {  	s3 =	sadd.s32 s3, s9;
	s6 =	sadd.s32 @!p0 $0x88, s6;
	s7 =	simm.s32 @p2 $0x1082  }
0x22: {  	[simem:s7], [sflag:s8] =	dma.local @!p0 [hbm:s6], $0xF7A  }
0x23: {  	s9 =	sor.u32 $0xD0000000, s2;
	s6 =	simm.s32 $0x108;
	_ =	swait.ge @!p0 [sflag:s8], $0x0  }
0x24: {  	s3 =	sadd.s32 $0x88, s3;
	s6 =	simm.s32 @!p1 $0x1082;
	[sflag:s4] =	ssyncset.s32 $0xFFFFF086  }
0x25: {  	[simem:s6], [sflag:s4] =	dma.local [hbm:s3], $0xF7A  }
0x26: {  	[smem:$0x3F9A] =	sst s1;
	(tag) =	ssettag s2;
	_ =	strace s9  }
0x27: {  	s1 =	sld [smem:$0x3FAA]  }
0x28: {  	s2 =	sld [smem:$0x3FAB]  }
0x29: {  	s4 =	sld [smem:$0x3FAD]  }
0x2a: {  	p0 =	seq.s32 s5, $0x0;
	s5 =	sld [smem:$0x3FAE]  }
0x2b: {  	s6 =	sld [smem:$0x3FAF]  }
0x2c: {  	s7 =	sld [smem:$0x3FB0]  }
0x2d: {  	s3 =	simm.s32 $0x108;
	s8 =	sld [smem:$0x3FB1]  }
0x2e: {  	s3 =	simm.s32 @!p0 $0x1082;
	s9 =	sld [smem:$0x3FB2]  }
0x2f: {  	lr =	sadd.s32 s0, s3;
	s0 =	sld [smem:$0x3FA9]  }
0x30: {  	s3 =	sld [smem:$0x3FAC]  }
0x31: {  	[smem:$0x3FB5] =	sst s10  }
0x32: {  	s10 =	sld [smem:$0x3FB3];
	_ =	sdelay $0x3  }
0x33: {  	p0 =	seq.s32 s10, $0x1;
	s10 =	sld [smem:$0x3FB5];
	_ =	sdelay $0x3  }
0x34: {  	[smem:$0x3FB5] =	sst s10  }
0x35: {  	s10 =	sld [smem:$0x3FB4];
	_ =	sdelay $0x3  }
0x36: {  	p1 =	seq.s32 s10, $0x1;
	s10 =	sld [smem:$0x3FB5];
	_ =	sdelay $0x3  }
0x37: {  	[smem:$0x3FB5] =	sst s10  }
0x38: {  	s10 =	sld [smem:$0x3FB6]  }
0x39: {  	_ = 	snop;
	(pc) =	sbr.ind lr, $3  }
0x3a: {  	_ = 	snop  }
0x3b: {  	_ = 	snop  }
0x3c: {  	p2 =	seq.s32 s10, $0x1;
	s10 =	sld [smem:$0x3FB5]  }
0x3d: {  	_ =	shalt  }
0x3e: {  	_ =	shalt  }
0x3f: {  	_ =	shalt  }
0x40: {  	_ =	shalt  }
0x41: {  	_ =	shalt  }
0x42: {  	_ =	shalt  }
0x43: {  	_ =	shalt  }
0x44: {  	_ =	shalt  }
0x45: {  	_ =	shalt  }
0x46: {  	_ =	shalt  }
0x47: {  	_ =	shalt  }
0x48: {  	_ =	shalt  }
0x49: {  	_ =	shalt  }
0x4a: {  	_ =	shalt  }
0x4b: {  	_ =	shalt  }
0x4c: {  	_ =	shalt  }
0x4d: {  	_ =	shalt  }
0x4e: {  	_ =	shalt  }
0x4f: {  	_ =	shalt  }
0x50: {  	_ =	shalt  }
0x51: {  	_ =	shalt  }
0x52: {  	_ =	shalt  }
0x53: {  	_ =	shalt  }
0x54: {  	_ =	shalt  }
0x55: {  	_ =	shalt  }
0x56: {  	_ =	shalt  }
0x57: {  	_ =	shalt  }
0x58: {  	_ =	shalt  }
0x59: {  	_ =	shalt  }
0x5a: {  	_ =	shalt  }
0x5b: {  	_ =	shalt  }
0x5c: {  	_ =	shalt  }
0x5d: {  	_ =	shalt  }
0x5e: {  	_ =	shalt  }
0x5f: {  	_ =	shalt  }
0x60: {  	_ =	shalt  }
0x61: {  	_ =	shalt  }
0x62: {  	_ =	shalt  }
0x63: {  	_ =	shalt  }
0x64: {  	_ =	shalt  }
0x65: {  	_ =	shalt  }
0x66: {  	_ =	shalt  }
0x67: {  	_ =	shalt  }
0x68: {  	_ =	shalt  }
0x69: {  	_ =	shalt  }
0x6a: {  	_ =	shalt  }
0x6b: {  	_ =	shalt  }
0x6c: {  	_ =	shalt  }
0x6d: {  	_ =	shalt  }
0x6e: {  	_ =	shalt  }
0x6f: {  	_ =	shalt  }
0x70: {  	_ =	shalt  }
0x71: {  	_ =	shalt  }
0x72: {  	_ =	shalt  }
0x73: {  	_ =	shalt  }
0x74: {  	_ =	shalt  }
0x75: {  	_ =	shalt  }
0x76: {  	_ =	shalt  }
0x77: {  	_ =	shalt  }
0x78: {  	_ =	shalt  }
0x79: {  	_ =	shalt  }
0x7a: {  	_ =	shalt  }
0x7b: {  	_ =	shalt  }
0x7c: {  	_ =	shalt  }
0x7d: {  	_ =	shalt  }
0x7e: {  	_ =	shalt  }
0x7f: {  	_ =	shalt  }
0x80: {  	_ =	shalt  }
0x81: {  	_ =	shalt  }
0x82: {  	_ =	shalt  }
0x83: {  	_ =	shalt  }
0x84: {  	_ =	shalt  }
0x85: {  	_ =	shalt  }
0x86: {  	_ =	shalt  }
0x87: {  	_ =	shalt  }
.Lfunc_end0:
.L_simem_size_0:
called_computation_lowered:
.L_overlay_start_0:
0x88: {  	s2 =	sld [smem:$0x3FD9]  }
0x89: {  	s3 =	sld [smem:$0x3FFE];
	_ =	sdelay $0x1  }
0x8a: {  	s1 =	srdreg.scid  }
0x8b: {  	s0 =	sand.u32 $0x1, s1  }
0x8c: {  	s17 =	sshll.u32 s0, $0xA;
	s2 =	sadd.s32 s3, s2  }
0x8d: {  	s2 =	sadd.s32 s2, s17  }
0x8e: {  	[smem:$0x3FC1] =	sst s2  }
0x8f: {  	_ = 	snop  }
0x90: {  	s2 =	sld [smem:$0x3FC9]  }
0x91: {  	s18 =	sld [smem:$0x3FD0];
	(tm) =	ssettm $0x1  }
0x92: {  	s4 =	sld [smem:$0x3FFB];
	_ =	sdelay $0x3  }
0x93: {  	_ =	strace s4  }
0x94: {  	s4 =	sld [smem:$0x3FFC];
	_ =	sdelay $0x3  }
0x95: {  	_ =	strace s4  }
0x96: {  	s4 =	sld [smem:$0x3FFD];
	_ =	sdelay $0x3  }
0x97: {  	_ =	strace s4  }
0x98: {  	_ =	strace $0x8FFFFFFF  }
0x99: {  	s19 =	sld [smem:$0x3FDB];
	_ =	sdelay $0x1  }
0x9a: {  	s5 =	simm.s32 $_scs_section_size  }
0x9b: {  	s6 =	simm.s32 $_size__tile_overlayer_lowered;
	s7 =	simm.s32 $_tile_overlayer_lowered  }
0x9c: {  	s22 =	simm.s32 $0x1BFF;
	s21 =	sshll.u32 s7, $0x1;
	s4 =	sadd.s32 s5, s19  }
0x9d: {  	s8 =	simm.s32 $0x0;
	s20 =	sshll.u32 s6, $0x1;
	s6 =	sadd.s32 s21, s4  }
0x9e: {  	[timem:s8], [sflag:s22] =	dma.local [hbm:s6], s20  }
0x9f: {  	_ =	swait.ge [sflag:s22], s20  }
0xa0: {  	s5 =	ssub.s32 $0x0, s20;
	[sflag:s22] =	ssyncset.done $0x0  }
0xa1: {  	[sflag:s22] =	ssyncadd.s32 s5;
	_ =	sdelay $0x1  }
0xa2: {  	s23 =	simm.s32 $0x1B8B  }
0xa3: {  	_ =	swait.ge [sflag:s23], $0x1  }
0xa4: {  	[sflag:s23] =	ssyncset.done $0x0  }
0xa5: {  	s25 =	simm.s32 $0x1B8E;
	s24 =	sld [smem:$0x3FFE];
	[sflag:s23] =	ssyncadd.s32 $0xFFFFFFFF  }
0xa6: {  	s26 =	simm.s32 $execute0_lowered;
	[smem:$0x3FD2] =	sst s25  }
0xa7: {  	s6 =	sshll.u32 s26, $0x1;
	_ =	strace $0x80000046;
	[dreg:$0x1] =	wrdreg $0xFFFFFFFF  }
0xa8: {  	s28 =	simm.s32 $_size_execute0_lowered;
	s4 =	sadd.s32 s4, s6;
	[dreg:$0x0] =	wrdreg $0x0  }
0xa9: {  	s6 =	sshll.u32 s28, $0x1;
	[dreg:$0x2] =	wrdreg s4  }
0xaa: {  	[dreg:$0x3] =	wrdreg s6  }
0xab: {  	[dreg:$0x4] =	wrdreg $0xC0  }
0xac: {  	_ =	task [dreg:s8], $0x5FFFF  }
0xad: {  	[dreg:$0x1] =	wrdreg $0xFFFFFFFF  }
0xae: {  	[dreg:$0x0] =	wrdreg $0x60  }
0xaf: {  	[dreg:$0x2] =	wrdreg s2  }
0xb0: {  	[dreg:$0x3] =	wrdreg s18  }
0xb1: {  	[dreg:$0x4] =	wrdreg s24  }
0xb2: {  	[dreg:$0x5] =	wrdreg $0xA8000  }
0xb3: {  	[dreg:$0x6] =	wrdreg $0x9  }
0xb4: {  	_ =	task.clear_ibuf [dreg:s8], $0x7FFFF;
	_ =	strace $0x90000046  }
0xb5: {  	s29 =	simm.s32 $0x9;
	_ =	strace $0x80000048  }
0xb6: {  	_ =	swait.ge [sflag:s29], $0x1  }
0xb7: {  	[sflag:s29] =	ssyncadd.s32 $0xFFFFFFFF  }
0xb8: {  	_ =	strace $0x90000048  }
0xb9: {  	_ =	sfence  }
0xba: {  	s30 =	sld [smem:$0x0];
	_ =	sdelay $0x2  }
0xbb: {  	s31 =	sshll.u32 s1, $0xD;
	s1 =	sshrl.u32 s1, $0x2  }
0xbc: {  	s3 =	sand.u32 $0x4000, s31;
	s1 =	sadd.s32 s1, s30  }
0xbd: {  	s0 =	sor.u32 s3, s0;
	s1 =	sshll.u32 s1, $0x11  }
0xbe: {  	s0 =	sor.u32 s1, s0  }
0xbf: {  	s0 =	sadd.s32 $0x8F2B, s0  }
0xc0: {  	[sflag:s0] =	ssyncadd.remote.s32 $0x1  }
0xc1: {  	_ =	sfence.sel $0xFFFF  }
0xc2: {  	[dreg:$0x0] =	wrdreg $0xFFFFFFFF;
	(pc) =	sbr.abs _section_cstart, $3  }
0xc3: {  	[dreg:$0x1] =	wrdreg $0xFFFFFFFF  }
0xc4: {  	_ =	task.clear_ibuf [dreg:s8], $0x2FFFF;
	_ =	strace $0x9FFFFFFF  }
0xc5: {  	(tm) =	ssettm $0x7FFFFFFF  }
tec
execute0_lowered:
.L_overlay_start_1:
0x0: {  	(tag) =	ssettag $0x1  }
0x1: {  	s1 =	rddreg [dreg:$0x0]  }
0x2: {  	s10 =	rddreg [dreg:$0x1]  }
0x3: {  	s6 =	rddreg [dreg:$0x2]  }
0x4: {  	s2 =	rddreg [dreg:$0x3]  }
0x5: {  	s3 =	srdreg.scid;
	s0 =	rddreg [dreg:$0x4];
	s4 =	simm.s32 $0x0  }
0x6: {  	s17 =	simm.s32 $0x80;
	s18 =	simm.s32 $0x2800;
	s19 =	simm.s32 $0x6800  }
0x7: {  	s20 =	simm.s32 $0x3;
	s21 =	simm.s32 $0x1;
	s22 =	simm.s32 $0x2  }
0x8: {  	s23 =	simm.s32 $0x2700;
	s5 =	sand.u32 $0x1, s3;
	s3 =	stileid.u32  }
0x9: {  	s24 =	simm.s32 $0x2780;
	[smem:$0x7FF] =	sst s4;
	s7 =	smul.u32 $0x13C000, s5  }
0xa: {  	s11 =	sadd.s32 $0x1000, s6;
	s8 =	smul.u32 $0x13C00, s3;
	_ =	strace $0x80000047  }
0xb: {  	s25 =	sshll.u32 s5, $0x4;
	s9 =	ssub.s32 $0x2, s5;
	s28 =	smul.u32 $0x4F000, s3  }
0xc: {  	s5 =	sadd.s32 $0xB000, s6;
	s26 =	sor.u32 s3, s25;
	s12 =	sshrl.u32 s9, $0x1  }
0xd: {  	s25 =	simm.s32 $0x0;
	s7 =	sadd.s32 s8, s7;
	s13 =	smul.u32 $0x2800, s26  }
0xe: {  	s15 =	ssub.s32 s9, s12;
	s29 =	sshrl.u32 s28, $0x2;
	s7 =	sshrl.u32 s7, $0x3  }
0xf: {  	s16 =	sadd.s32 s29, s2;
	s14 =	sadd.s32 s7, s6;
	s6 =	sshll.u32 s3, $0x6  }
0x10: {  	s30 =	sshrl.u32 s13, $0x3;
	s13 =	smax.u32 s15, $0x1;
	s15 =	simm.s32 $0x4  }
0x11: {  	s7 =	sor.u32 $0x1C03, s6;
	s31 =	sadd.s32 $0x280, s30;
	s8 =	sadd.s32 s10, s30  }
0x12: {  	s9 =	sadd.s32 s11, s30;
	s12 =	sadd.s32 $0xD800, s14;
	s14 =	sshrl.u32 s16, $0x3  }
0x13: {  	s16 =	simm.s32 $0x1400;
	s10 =	sadd.s32 s10, s31;
	s11 =	sadd.s32 s11, s31  }
.LBB2_1:
0x14: {  	[spmem:s14], [sflag:s7] =	dma.local [hbm:s5], $0x2780  }
0x15: {  	[tilespmem:s4], [sflag:$0x4] =	stream.linear.gather [hbm4b:s8+s4], $0x1400, $0x38;
	[tilespmem:$0x1E400] =	vst v63  }
0x16: {  	_ =	swait.ge [sflag:s15], $0x1400  }
0x17: {  	[sflag:s15] =	ssyncset.done $0x0  }
0x18: {  	[sflag:s15] =	ssyncadd.s32 $0xFFFFEC00  }
0x19: {  	[tilespmem:s16], [sflag:$0x4] =	stream.linear.gather [hbm4b:s9+s4], $0x1400, $0x38;
	[tilespmem:$0x1E400] =	vst v63  }
0x1a: {  	_ =	swait.ge [sflag:s15], $0x1400  }
0x1b: {  	[sflag:s15] =	ssyncset.done $0x0  }
0x1c: {  	[sflag:s15] =	ssyncadd.s32 $0xFFFFEC00  }
0x1d: {  	[tilespmem:s18], [sflag:$0x1] =	stream.indirect.gather [hbm4b:s1+s17], $0x80, s4, s17, $0xb8;
	[tilespmem:$0x1E400] =	vst v63  }
0x1e: {  	_ = 	snop  }
0x1f: {  	[tilespmem:s19], [sflag:$0x2] =	stream.indirect.gather [hbm4b:s1+s17], $0x80, s17, s17, $0xb8;
	[tilespmem:$0x1E400] =	vst v63  }
0x20: {  	_ =	swait.ge [sflag:s20], $0x2780  }
0x21: {  	[sflag:s20] =	ssyncset.done $0x0  }
0x22: {  	[sflag:s20] =	ssyncadd.s32 $0xFFFFD880  }
0x23: {  	[bflag:$0x0] =	sbarrier.arrive $0xFFFF  }
0x24: {  	_ =	swait.ge [sflag:s21], $0x4000  }
0x25: {  	[sflag:s21] =	ssyncset.done $0x0  }
0x26: {  	s26 =	simm.s32 $0x1400;
	[sflag:s21] =	ssyncadd.s32 $0xFFFFC000  }
0x27: {  	[spmem:s2] =	stream.indirect.scatter.add.f32 [tilespmem:s18], [sflag:$0x4], $0x80, s26, s17, $0xb8;
	[tilespmem:$0x1E400] =	vst v63  }
0x28: {  	_ =	swait.ge [sflag:s15], $0x4000  }
0x29: {  	[sflag:s15] =	ssyncset.done $0x0  }
0x2a: {  	s30 =	simm.s32 $0x100;
	[sflag:s15] =	ssyncadd.s32 $0xFFFFC000  }
0x2b: {  	[tilespmem:s18], [sflag:$0x1] =	stream.indirect.gather [hbm4b:s1+s17], $0x80, s30, s17, $0xb8;
	[tilespmem:$0x1E400] =	vst v63  }
0x2c: {  	_ =	swait.ge [sflag:s22], $0x4000  }
0x2d: {  	[sflag:s22] =	ssyncset.done $0x0  }
0x2e: {  	s31 =	simm.s32 $0x1480;
	[sflag:s22] =	ssyncadd.s32 $0xFFFFC000  }
0x2f: {  	[spmem:s2] =	stream.indirect.scatter.add.f32 [tilespmem:s19], [sflag:$0x4], $0x80, s31, s17, $0xb8;
	[tilespmem:$0x1E400] =	vst v63  }
0x30: {  	_ =	swait.ge [sflag:s15], $0x4000  }
0x31: {  	[sflag:s15] =	ssyncset.done $0x0  }
0x32: {  	s28 =	simm.s32 $0x180;
	s26 =	simm.s32 $0x400;
	[sflag:s15] =	ssyncadd.s32 $0xFFFFC000  }
.LBB2_2:
0x33: {  	[tilespmem:s19], [sflag:$0x2] =	stream.indirect.gather [hbm4b:s1+s17], $0x80, s28, s17, $0xb8;
	[tilespmem:$0x1E400] =	vst v63  }
0x34: {  	s28 =	smov.u32 s26  }
0x35: {  	p0 =	sne.s32 s26, $0x4800;
	s26 =	sadd.s32 $0x400, s26;
	_ =	swait.ge [sflag:s21], $0x4000  }
0x36: {  	s28 =	sshra.s32 s28, $0x2;
	[sflag:s21] =	ssyncset.done $0x0  }
0x37: {  	s29 =	sadd.s32 $0x1400, s28;
	[sflag:s21] =	ssyncadd.s32 $0xFFFFC000  }
0x38: {  	[spmem:s2] =	stream.indirect.scatter.add.f32 [tilespmem:s18], [sflag:$0x4], $0x80, s29, s17, $0xb8;
	[tilespmem:$0x1E400] =	vst v63  }
0x39: {  	_ =	swait.ge [sflag:s15], $0x4000  }
0x3a: {  	[sflag:s15] =	ssyncset.done $0x0  }
0x3b: {  	s29 =	sadd.s32 $0x100, s28;
	[sflag:s15] =	ssyncadd.s32 $0xFFFFC000  }
0x3c: {  	[tilespmem:s18], [sflag:$0x1] =	stream.indirect.gather [hbm4b:s1+s17], $0x80, s29, s17, $0xb8;
	[tilespmem:$0x1E400] =	vst v63  }
0x3d: {  	_ =	swait.ge [sflag:s22], $0x4000  }
0x3e: {  	[sflag:s22] =	ssyncset.done $0x0  }
.Ltmp0:
0x3f: {  	s29 =	sadd.s32 $0x1480, s28;
	[sflag:s22] =	ssyncadd.s32 $0xFFFFC000;
	(pc) =	sbr.rel @p0 .LBB2_2-.Ltmp0, $4  }
0x40: {  	[spmem:s2] =	stream.indirect.scatter.add.f32 [tilespmem:s19], [sflag:$0x4], $0x80, s29, s17, $0xb8;
	[tilespmem:$0x1E400] =	vst v63  }
0x41: {  	_ =	swait.ge [sflag:s15], $0x4000  }
0x42: {  	[sflag:s15] =	ssyncset.done $0x0  }
0x43: {  	s28 =	sadd.s32 $0x180, s28;
	[sflag:s15] =	ssyncadd.s32 $0xFFFFC000  }
0x44: {  	[tilespmem:s19], [sflag:$0x2] =	stream.indirect.gather [hbm4b:s1+s17], $0x80, s28, s17, $0xb8;
	[tilespmem:$0x1E400] =	vst v63  }
0x45: {  	_ =	swait.ge [sflag:s21], $0x4000  }
0x46: {  	[sflag:s21] =	ssyncset.done $0x0  }
0x47: {  	[sflag:s21] =	ssyncadd.s32 $0xFFFFC000  }
0x48: {  	[spmem:s2] =	stream.indirect.scatter.add.f32 [tilespmem:s18], [sflag:$0x4], $0x80, s23, s17, $0xb8;
	[tilespmem:$0x1E400] =	vst v63  }
0x49: {  	_ =	swait.ge [sflag:s15], $0x4000  }
0x4a: {  	[sflag:s15] =	ssyncset.done $0x0  }
0x4b: {  	[sflag:s15] =	ssyncadd.s32 $0xFFFFC000  }
0x4c: {  	_ =	swait.ge [sflag:s22], $0x4000  }
0x4d: {  	[sflag:s22] =	ssyncset.done $0x0  }
0x4e: {  	[sflag:s22] =	ssyncadd.s32 $0xFFFFC000  }
0x4f: {  	[spmem:s2] =	stream.indirect.scatter.add.f32 [tilespmem:s19], [sflag:$0x4], $0x80, s24, s17, $0xb8;
	[tilespmem:$0x1E400] =	vst v63  }
0x50: {  	_ =	swait.ge [sflag:s15], $0x4000  }
0x51: {  	[sflag:s15] =	ssyncset.done $0x0  }
0x52: {  	s26 =	simm.s32 $0x0;
	[sflag:s15] =	ssyncadd.s32 $0xFFFFC000  }
0x53: {  	[tilespmem:s26], [sflag:$0x4] =	stream.linear.gather [hbm4b:s10+s26], $0x1400, $0x38;
	[tilespmem:$0x1E400] =	vst v63  }
0x54: {  	_ =	swait.ge [sflag:s15], $0x1400  }
0x55: {  	[sflag:s15] =	ssyncset.done $0x0  }
0x56: {  	[sflag:s15] =	ssyncadd.s32 $0xFFFFEC00  }
0x57: {  	[tilespmem:s16], [sflag:$0x4] =	stream.linear.gather [hbm4b:s11+s26], $0x1400, $0x38;
	[tilespmem:$0x1E400] =	vst v63  }
0x58: {  	_ =	swait.ge [sflag:s15], $0x1400  }
0x59: {  	[sflag:s15] =	ssyncset.done $0x0  }
0x5a: {  	[sflag:s15] =	ssyncadd.s32 $0xFFFFEC00  }
0x5b: {  	[tilespmem:s18], [sflag:$0x1] =	stream.indirect.gather [hbm4b:s1+s17], $0x80, s26, s17, $0xb8;
	[tilespmem:$0x1E400] =	vst v63  }
0x5c: {  	_ = 	snop  }
0x5d: {  	[tilespmem:s19], [sflag:$0x2] =	stream.indirect.gather [hbm4b:s1+s17], $0x80, s17, s17, $0xb8;
	[tilespmem:$0x1E400] =	vst v63  }
0x5e: {  	_ =	swait.ge [sflag:s21], $0x4000  }
0x5f: {  	[sflag:s21] =	ssyncset.done $0x0  }
0x60: {  	s29 =	simm.s32 $0x1400;
	[sflag:s21] =	ssyncadd.s32 $0xFFFFC000  }
0x61: {  	[spmem:s2] =	stream.indirect.scatter.add.f32 [tilespmem:s18], [sflag:$0x4], $0x80, s29, s17, $0xb8;
	[tilespmem:$0x1E400] =	vst v63  }
0x62: {  	_ =	swait.ge [sflag:s15], $0x4000  }
0x63: {  	[sflag:s15] =	ssyncset.done $0x0  }
0x64: {  	s30 =	simm.s32 $0x100;
	[sflag:s15] =	ssyncadd.s32 $0xFFFFC000  }
0x65: {  	[tilespmem:s18], [sflag:$0x1] =	stream.indirect.gather [hbm4b:s1+s17], $0x80, s30, s17, $0xb8;
	[tilespmem:$0x1E400] =	vst v63  }
0x66: {  	_ =	swait.ge [sflag:s22], $0x4000  }
0x67: {  	[sflag:s22] =	ssyncset.done $0x0  }
0x68: {  	s31 =	simm.s32 $0x1480;
	[sflag:s22] =	ssyncadd.s32 $0xFFFFC000  }
0x69: {  	[spmem:s2] =	stream.indirect.scatter.add.f32 [tilespmem:s19], [sflag:$0x4], $0x80, s31, s17, $0xb8;
	[tilespmem:$0x1E400] =	vst v63  }
0x6a: {  	_ =	swait.ge [sflag:s15], $0x4000  }
0x6b: {  	[sflag:s15] =	ssyncset.done $0x0  }
0x6c: {  	s28 =	simm.s32 $0x180;
	s26 =	simm.s32 $0x400;
	[sflag:s15] =	ssyncadd.s32 $0xFFFFC000  }
.LBB2_4:
0x6d: {  	[tilespmem:s19], [sflag:$0x2] =	stream.indirect.gather [hbm4b:s1+s17], $0x80, s28, s17, $0xb8;
	[tilespmem:$0x1E400] =	vst v63  }
0x6e: {  	s28 =	smov.u32 s26  }
0x6f: {  	p0 =	sne.s32 s26, $0x4800;
	s26 =	sadd.s32 $0x400, s26;
	_ =	swait.ge [sflag:s21], $0x4000  }
0x70: {  	s28 =	sshra.s32 s28, $0x2;
	[sflag:s21] =	ssyncset.done $0x0  }
0x71: {  	s29 =	sadd.s32 $0x1400, s28;
	[sflag:s21] =	ssyncadd.s32 $0xFFFFC000  }
0x72: {  	[spmem:s2] =	stream.indirect.scatter.add.f32 [tilespmem:s18], [sflag:$0x4], $0x80, s29, s17, $0xb8;
	[tilespmem:$0x1E400] =	vst v63  }
0x73: {  	_ =	swait.ge [sflag:s15], $0x4000  }
0x74: {  	[sflag:s15] =	ssyncset.done $0x0  }
0x75: {  	s29 =	sadd.s32 $0x100, s28;
	[sflag:s15] =	ssyncadd.s32 $0xFFFFC000  }
0x76: {  	[tilespmem:s18], [sflag:$0x1] =	stream.indirect.gather [hbm4b:s1+s17], $0x80, s29, s17, $0xb8;
	[tilespmem:$0x1E400] =	vst v63  }
0x77: {  	_ =	swait.ge [sflag:s22], $0x4000  }
0x78: {  	[sflag:s22] =	ssyncset.done $0x0  }
.Ltmp1:
0x79: {  	s29 =	sadd.s32 $0x1480, s28;
	[sflag:s22] =	ssyncadd.s32 $0xFFFFC000;
	(pc) =	sbr.rel @p0 .LBB2_4-.Ltmp1, $4  }
0x7a: {  	[spmem:s2] =	stream.indirect.scatter.add.f32 [tilespmem:s19], [sflag:$0x4], $0x80, s29, s17, $0xb8;
	[tilespmem:$0x1E400] =	vst v63  }
0x7b: {  	_ =	swait.ge [sflag:s15], $0x4000  }
0x7c: {  	[sflag:s15] =	ssyncset.done $0x0  }
0x7d: {  	s28 =	sadd.s32 $0x180, s28;
	[sflag:s15] =	ssyncadd.s32 $0xFFFFC000  }
0x7e: {  	[tilespmem:s19], [sflag:$0x2] =	stream.indirect.gather [hbm4b:s1+s17], $0x80, s28, s17, $0xb8;
	[tilespmem:$0x1E400] =	vst v63  }
0x7f: {  	_ =	swait.ge [sflag:s21], $0x4000  }
0x80: {  	[sflag:s21] =	ssyncset.done $0x0  }
0x81: {  	[sflag:s21] =	ssyncadd.s32 $0xFFFFC000  }
0x82: {  	[spmem:s2] =	stream.indirect.scatter.add.f32 [tilespmem:s18], [sflag:$0x4], $0x80, s23, s17, $0xb8;
	[tilespmem:$0x1E400] =	vst v63  }
0x83: {  	_ =	swait.ge [sflag:s15], $0x4000  }
0x84: {  	[sflag:s15] =	ssyncset.done $0x0  }
0x85: {  	[sflag:s15] =	ssyncadd.s32 $0xFFFFC000  }
0x86: {  	_ =	swait.ge [sflag:s22], $0x4000  }
0x87: {  	[sflag:s22] =	ssyncset.done $0x0  }
0x88: {  	[sflag:s22] =	ssyncadd.s32 $0xFFFFC000  }
0x89: {  	[spmem:s2] =	stream.indirect.scatter.add.f32 [tilespmem:s19], [sflag:$0x4], $0x80, s24, s17, $0xb8;
	[tilespmem:$0x1E400] =	vst v63  }
0x8a: {  	_ =	swait.ge [sflag:s15], $0x4000  }
0x8b: {  	s25 =	sadd.s32 $0x1, s25;
	[sflag:s15] =	ssyncset.done $0x0  }
0x8c: {  	p0 =	sne.s32 s25, s13;
	[sflag:s15] =	ssyncadd.s32 $0xFFFFC000  }
.Ltmp2:
0x8d: {  	s26 =	sor.u32 $0x1C04, s6;
	[bflag:$0x0] =	sbarrier.arrive $0xFFFF;
	(pc) =	sbr.rel @p0 .LBB2_1-.Ltmp2, $4  }
0x8e: {  	[hbm:s12], [sflag:s26] =	dma.local [spmem:s14], $0x2780  }
0x8f: {  	_ =	swait.ge [sflag:s15], $0x2780  }
0x90: {  	[sflag:s15] =	ssyncset.done $0x0  }
0x91: {  	[sflag:s15] =	ssyncadd.s32 $0xFFFFD880  }
0x92: {  	_ =	sfence.sel $0x180000  }
0x93: {  	[bflag:$0x0] =	sbarrier.arrive $0xFFFF  }
0x94: {  	p0 =	sne.s32 s3, $0x0;
	_ =	strace $0x90000047  }
0x95: {  	s0 =	sadd.s32 @!p0 $0x100000, s0;
	[bflag:$0x2] =	sbarrier.arrive $0xFFFF  }
0x96: {  	[sflag:s0] =	ssyncadd.tile.s32 @!p0 $0x1;
	_ =	shalt  }
.Lfunc_end2:
_tile_overlayer_lowered:
.L_overlay_start_2:
0x97: {  	(tag) =	ssettag $0x2  }
0x98: {  	s0 =	rddreg [dreg:$0x0];
	s2 =	stileid.u32  }
0x99: {  	s1 =	rddreg [dreg:$0x1];
	p0 =	sne.s32 s2, $0x0  }
0x9a: {  	s3 =	rddreg [dreg:$0x2];
	[bflag:$0x3] =	sbarrier.arrive $0xFFFF;
	s2 =	simm.s32 @!p0 $0x1C04  }
0x9b: {  	[timem:s3], [sflag:s2] =	dma.local @!p0 [hbm:s0], s1  }
0x9c: {  	s0 =	simm.s32 @!p0 $0x4  }
0x9d: {  	_ =	swait.ge @!p0 [sflag:s0], s1  }
0x9e: {  	s1 =	ssub.s32 @!p0 $0x0, s1;
	[sflag:s0] =	ssyncset.done @!p0 $0x0  }
0x9f: {  	[sflag:s0] =	ssyncadd.s32 @!p0 s1  }
0xa0: {  	[bflag:$0x3] =	sbarrier.arrive $0xFFFF  }
0xa1: {  	_ =	shalt  }

</sc_bundles>
